<compile_context>
chip_gen: v7x
topology: tpu7x:2x2x1
jax: 0.10.2.dev20260603
libtpu: 0.0.44.dev20260713+nightly
codegen_flags: <defaults>
</compile_context>

<pallas_src>
import functools

import jax
import jax.numpy as jnp
from jax import lax
from jax.experimental import pallas as pl
from jax.experimental.pallas import tpu as pltpu
from jax.experimental.pallas import tpu_sc as plsc

_B = 1024
_A = 16
_D = 128
_H = 128
_NA = 32
_N = _B * _A
_E = _N * _A

_GA = 32
_GC = 64

_NC = 2
_NS = 16
_NW = _NC * _NS
_EPW = _E // _NW
_GPW = _B // _NW


def _attn_body(x_ref, ea_ref, wl_ref, wr_ref, we_ref, att_ref, bl_ref,
               br_ref, logit_ref):
    dn_t = (((1,), (1,)), ((), ()))
    x = x_ref[...]
    xl = lax.dot_general(x, wl_ref[...], dn_t,
                         preferred_element_type=jnp.float32) + bl_ref[...]
    xr = lax.dot_general(x, wr_ref[...], dn_t,
                         preferred_element_type=jnp.float32) + br_ref[...]
    ew = lax.dot_general(ea_ref[...], we_ref[...], dn_t,
                         preferred_element_type=jnp.float32)
    e4 = (xl.reshape(_GA, _A, 1, _H)
          + xr.reshape(_GA, 1, _A, _H)
          + ew.reshape(_GA, _A, _A, _H))
    e2 = e4.reshape(_GA * _A * _A, _H)
    le = jnp.where(e2 > 0, e2, 0.2 * e2)
    logit_ref[...] = jnp.sum(le * att_ref[...], axis=-1, keepdims=True)


def _attn_call(x, ea, wlT, wrT, weT, attb, blb, brb):
    grid = (_B // _GA,)
    return pl.pallas_call(
        _attn_body,
        grid=grid,
        in_specs=[
            pl.BlockSpec((_A * _GA, _D), lambda i: (i, 0)),
            pl.BlockSpec((_A * _A * _GA, 3), lambda i: (i, 0)),
            pl.BlockSpec((_H, _D), lambda i: (0, 0)),
            pl.BlockSpec((_H, _D), lambda i: (0, 0)),
            pl.BlockSpec((_H, 3), lambda i: (0, 0)),
            pl.BlockSpec((1, _H), lambda i: (0, 0)),
            pl.BlockSpec((1, _H), lambda i: (0, 0)),
            pl.BlockSpec((1, _H), lambda i: (0, 0)),
        ],
        out_specs=pl.BlockSpec((_A * _A * _GA, 1), lambda i: (i, 0)),
        out_shape=jax.ShapeDtypeStruct((_E, 1), jnp.float32),
    )(x, ea, wlT, wrT, weT, attb, blb, brb)


def _sc_softmax_body(logits_hbm, alpha_hbm, buf, out):
    wid = lax.axis_index("s") * _NC + lax.axis_index("c")
    base = wid * _EPW
    pltpu.sync_copy(logits_hbm.at[pl.ds(base, _EPW)], buf)

    def body(k, carry):
        off = k * (_A * _A)
        rows = [buf[pl.ds(off + _A * i, _A)] for i in range(_A)]
        m = rows[0]
        for i in range(1, _A):
            m = jnp.maximum(m, rows[i])
        exps = [jnp.exp(r - m) for r in rows]
        den = exps[0]
        for i in range(1, _A):
            den = den + exps[i]
        inv = 1.0 / den
        for i in range(_A):
            out[pl.ds(off + _A * i, _A)] = exps[i] * inv
        return carry

    lax.fori_loop(0, _GPW, body, 0)
    pltpu.sync_copy(out, alpha_hbm.at[pl.ds(base, _EPW)])


def _sc_softmax(logits_flat):
    mesh = plsc.VectorSubcoreMesh(core_axis_name="c", subcore_axis_name="s")
    f = functools.partial(
        pl.kernel,
        mesh=mesh,
        out_type=jax.ShapeDtypeStruct((_E,), jnp.float32),
        scratch_types=[
            pltpu.VMEM((_EPW,), jnp.float32),
            pltpu.VMEM((_EPW,), jnp.float32),
        ],
    )(_sc_softmax_body)
    return f(logits_flat)


def _gru_body(x_ref, h0_ref, wl_ref, bl_ref, alpha_ref, wih_ref, whh_ref,
              w2_ref, bout_ref, bih_ref, bhh_ref, b2_ref,
              h_ref, q_ref):
    dn_t = (((1,), (1,)), ((), ()))
    alpha3 = alpha_ref[...].reshape(_GC, _A, _A)
    xl = lax.dot_general(x_ref[...], wl_ref[...], dn_t,
                         preferred_element_type=jnp.float32) + bl_ref[...]
    xl3 = xl.reshape(_GC, _A, _H)
    agg = lax.dot_general(
        alpha3, xl3, dimension_numbers=(((1,), (1,)), ((0,), (0,))),
        preferred_element_type=jnp.float32)
    h_gnn = jnp.maximum(agg.reshape(_A * _GC, _H) + bout_ref[...], 0.0)
    wih = wih_ref[...]
    gi = (lax.dot_general(h_gnn, wih[:, :_H], dn_t,
                          preferred_element_type=jnp.float32)
          + lax.dot_general(x_ref[...], wih[:, _H:], dn_t,
                            preferred_element_type=jnp.float32)
          + bih_ref[...])
    h0 = h0_ref[...]
    gh = lax.dot_general(h0, whh_ref[...], dn_t,
                         preferred_element_type=jnp.float32) + bhh_ref[...]
    r = 1.0 / (1.0 + jnp.exp(-(gi[:, :_H] + gh[:, :_H])))
    z = 1.0 / (1.0 + jnp.exp(-(gi[:, _H:2 * _H] + gh[:, _H:2 * _H])))
    n = jnp.tanh(gi[:, 2 * _H:] + r * gh[:, 2 * _H:])
    h = (1.0 - z) * n + z * h0
    h_ref[...] = h
    q_ref[...] = lax.dot_general(h, w2_ref[...], dn_t,
                                 preferred_element_type=jnp.float32) + b2_ref[...]


def _gru_call(x, h0, wl, blb, alpha, wih, whh, w2, boutb, bihb, bhhb, b2b):
    grid = (_B // _GC,)
    return pl.pallas_call(
        _gru_body,
        grid=grid,
        in_specs=[
            pl.BlockSpec((_A * _GC, _D), lambda i: (i, 0)),
            pl.BlockSpec((_A * _GC, _H), lambda i: (i, 0)),
            pl.BlockSpec((_H, _D), lambda i: (0, 0)),
            pl.BlockSpec((1, _H), lambda i: (0, 0)),
            pl.BlockSpec((_A * _GC, _A), lambda i: (i, 0)),
            pl.BlockSpec((3 * _H, _H + _D), lambda i: (0, 0)),
            pl.BlockSpec((3 * _H, _H), lambda i: (0, 0)),
            pl.BlockSpec((_NA, _H), lambda i: (0, 0)),
            pl.BlockSpec((1, _H), lambda i: (0, 0)),
            pl.BlockSpec((1, 3 * _H), lambda i: (0, 0)),
            pl.BlockSpec((1, 3 * _H), lambda i: (0, 0)),
            pl.BlockSpec((1, _NA), lambda i: (0, 0)),
        ],
        out_specs=[
            pl.BlockSpec((_A * _GC, _H), lambda i: (i, 0)),
            pl.BlockSpec((_A * _GC, _NA), lambda i: (i, 0)),
        ],
        out_shape=[
            jax.ShapeDtypeStruct((_N, _H), jnp.float32),
            jax.ShapeDtypeStruct((_N, _NA), jnp.float32),
        ],
    )(x, h0, wl, blb, alpha, wih, whh, w2, boutb, bihb, bhhb, b2b)


def kernel(inputs, hidden_states, edge_index, edge_attr, W_l, b_l, W_r, b_r,
           W_e, att, b_out, W_ih, b_ih, W_hh, b_hh, W2, b2):
    del edge_index
    logits = _attn_call(
        inputs, edge_attr, W_l, W_r, W_e,
        att.reshape(1, _H), b_l.reshape(1, _H), b_r.reshape(1, _H))
    alpha = _sc_softmax(logits.reshape(_E))
    h, q = _gru_call(
        inputs, hidden_states, W_l, b_l.reshape(1, _H), alpha.reshape(_N, _A),
        W_ih, W_hh, W2,
        b_out.reshape(1, _H), b_ih.reshape(1, 3 * _H),
        b_hh.reshape(1, 3 * _H), b2.reshape(1, _NA))
    return (q, h)

# --- scband reference (transcript-rebuilt; emitter-appended) ---
"""Pipeline reference for scband-gnn-rnn-agent-4432406249600 (READ-ONLY COPY).

The authoritative reference and input builder live on the scoring server;
editing this copy changes nothing except your own understanding.
"""

import jax, jax.numpy as jnp
import numpy as np

B = 1024; A = 16; D = 128; H = 128; NA = 32
N = B * A; E = B * A * A

def setup_inputs(seed: int = 0) -> dict:
    key = jax.random.key(seed)
    ks = jax.random.split(key, 12)
    s = 0.05
    inputs = jax.random.normal(ks[0], (N, D), dtype=jnp.float32)
    hidden_states = jax.random.normal(ks[1], (N, H), dtype=jnp.float32)
    # Deterministic graph construction (stand-in for batch_from_dense_to_ptg):
    # fully-connected directed graph (incl. self loops) within each of B agent groups.
    a = np.arange(A)
    src_l = np.repeat(a, A)
    dst_l = np.tile(a, A)
    off = (np.arange(B) * A)[:, None]
    src = (off + src_l[None, :]).reshape(-1)
    dst = (off + dst_l[None, :]).reshape(-1)
    edge_index = jnp.asarray(np.stack([src, dst]).astype(np.int32))
    edge_attr = jax.random.normal(ks[2], (E, 3), dtype=jnp.float32)
    # GATv2Conv params (heads=1, edge_dim=3)
    W_l = jax.random.normal(ks[3], (H, D), dtype=jnp.float32) * s
    b_l = jnp.zeros((H,), dtype=jnp.float32)
    W_r = jax.random.normal(ks[4], (H, D), dtype=jnp.float32) * s
    b_r = jnp.zeros((H,), dtype=jnp.float32)
    W_e = jax.random.normal(ks[5], (H, 3), dtype=jnp.float32) * s
    att = jax.random.normal(ks[6], (H,), dtype=jnp.float32) * s
    b_out = jnp.zeros((H,), dtype=jnp.float32)
    # GRUCell params: input = hidden_dim + input_shape
    W_ih = jax.random.normal(ks[7], (3 * H, H + D), dtype=jnp.float32) * s
    b_ih = jnp.zeros((3 * H,), dtype=jnp.float32)
    W_hh = jax.random.normal(ks[8], (3 * H, H), dtype=jnp.float32) * s
    b_hh = jnp.zeros((3 * H,), dtype=jnp.float32)
    # fc2
    W2 = jax.random.normal(ks[9], (NA, H), dtype=jnp.float32) * s
    b2 = jnp.zeros((NA,), dtype=jnp.float32)
    return dict(inputs=inputs, hidden_states=hidden_states, edge_index=edge_index,
                edge_attr=edge_attr, W_l=W_l, b_l=b_l, W_r=W_r, b_r=b_r, W_e=W_e,
                att=att, b_out=b_out, W_ih=W_ih, b_ih=b_ih, W_hh=W_hh, b_hh=b_hh,
                W2=W2, b2=b2)

def reference(inputs, hidden_states, edge_index, edge_attr, W_l, b_l, W_r, b_r,
              W_e, att, b_out, W_ih, b_ih, W_hh, b_hh, W2, b2):
    Nn = inputs.shape[0]
    src = edge_index[0]
    dst = edge_index[1]
    # GATv2Conv forward (heads=1, concat, negative_slope=0.2, edge_dim=3)
    x_l = inputs @ W_l.T + b_l
    x_r = inputs @ W_r.T + b_r
    e = x_l[src] + x_r[dst] + edge_attr @ W_e.T
    e = jnp.where(e > 0, e, 0.2 * e)  # leaky_relu
    logits = e @ att
    m = jax.ops.segment_max(logits, dst, num_segments=Nn)
    ex = jnp.exp(logits - m[dst])
    den = jax.ops.segment_sum(ex, dst, num_segments=Nn)
    alpha = ex / den[dst]
    agg = jax.ops.segment_sum(x_l[src] * alpha[:, None], dst, num_segments=Nn) + b_out
    h_gnn = jax.nn.relu(agg)
    # concat + GRUCell
    xcat = jnp.concatenate([h_gnn, inputs], axis=1)
    gi = xcat @ W_ih.T + b_ih
    gh = hidden_states @ W_hh.T + b_hh
    i_r, i_z, i_n = jnp.split(gi, 3, axis=1)
    h_r, h_z, h_n = jnp.split(gh, 3, axis=1)
    r = jax.nn.sigmoid(i_r + h_r)
    z = jax.nn.sigmoid(i_z + h_z)
    n = jnp.tanh(i_n + r * h_n)
    h = (1.0 - z) * n + z * hidden_states
    q = h @ W2.T + b2
    return (q, h)

if __name__ == "__main__":
    import jax
    _d = setup_inputs()
    print(jax.jit(kernel)(*tuple(_d.values())))

</pallas_src>

<mosaic_0001>
#map = affine_map<(d0, d1) -> (0)>
module attributes {stable_mosaic.version = 14 : i64} {
  func.func @_sc_softmax_body(%arg0: i32, %arg1: i32, %arg2: memref<262144xf32, #tpu.memory_space<hbm>>, %arg3: memref<262144xf32, #tpu.memory_space<hbm>>, %arg4: memref<8192xf32, #tpu.memory_space<vmem>>, %arg5: memref<8192xf32, #tpu.memory_space<vmem>>) attributes {dimension_semantics = [#tpu.dimension_semantics<core_parallel>, #tpu.dimension_semantics<subcore_parallel>], iteration_bounds = array<i64: 2, 16>, scalar_prefetch = 0 : i64, scratch_operands = 2 : i64, tpu.core_type = #tpu.core_type<sc_vector_subcore>, window_params = [{transform_indices = #map}, {transform_indices = #map}]} {
    %mul3A = arith.constant 2 : i32
    %mul3A_0 = arith.muli %arg1, %mul3A : i32
    %add3A = arith.addi %mul3A_0, %arg0 : i32
    %mul3A_1 = arith.constant 8192 : i32
    %mul3A_2 = arith.muli %add3A, %mul3A_1 : i32
    "tpu.region"() ({
      %run_scoped3A = tpu.sem_alloc : memref<!tpu.dma_semaphore, #tpu.memory_space<semaphore_mem>>
      %dma_start3A = tpu.memref_slice %arg2[%mul3A_2] : memref<262144xf32, #tpu.memory_space<hbm>> -> memref<8192xf32, #tpu.memory_space<hbm>>
      %dma_start3A_8 = tpu.memref_slice %arg2[%mul3A_2] : memref<262144xf32, #tpu.memory_space<hbm>> -> memref<8192xf32, #tpu.memory_space<hbm>>
      tpu.enqueue_dma source(%dma_start3A_8 : memref<8192xf32, #tpu.memory_space<hbm>>) target(%arg4 : memref<8192xf32, #tpu.memory_space<vmem>>) target_semaphore(%run_scoped3A : memref<!tpu.dma_semaphore, #tpu.memory_space<semaphore_mem>>)
      %dma_wait3A = tpu.memref_slice %arg2[%mul3A_2] : memref<262144xf32, #tpu.memory_space<hbm>> -> memref<8192xf32, #tpu.memory_space<hbm>>
      %dma_wait3A_9 = tpu.memref_slice %arg2[%mul3A_2] : memref<262144xf32, #tpu.memory_space<hbm>> -> memref<8192xf32, #tpu.memory_space<hbm>>
      tpu.wait_dma2 semaphore(%run_scoped3A : memref<!tpu.dma_semaphore, #tpu.memory_space<semaphore_mem>>) src(%dma_wait3A_9 : memref<8192xf32, #tpu.memory_space<hbm>>) dst(%arg4 : memref<8192xf32, #tpu.memory_space<vmem>>)
      tpu.yield
    }) : () -> ()
    %scan3A = arith.constant 0 : i32
    %scan3A_3 = arith.constant 0 : i32
    %scan3A_4 = arith.constant 32 : i32
    %scan3A_5 = arith.addi %scan3A_3, %scan3A_4 : i32
    %scan3A_6 = arith.constant 1 : i32
    scf.for %scan3A_8 = %scan3A_3 to %scan3A_5 step %scan3A_6  : i32 {
      %mul3A_9 = arith.constant 256 : i32
      %mul3A_10 = arith.muli %scan3A_8, %mul3A_9 : i32
      %add3A_11 = arith.constant 0 : i32
      %add3A_12 = arith.addi %mul3A_10, %add3A_11 : i32
      %get3A = arith.index_cast %add3A_12 : i32 to index
      %get3A_13 = tpu.vector_load %arg4[%get3A] {strides = array<i32>} : memref<8192xf32, #tpu.memory_space<vmem>>, vector<16xf32>,
      %get3A_14 = vector.shape_cast %get3A_13 : vector<16xf32> to vector<16xf32>
      %add3A_15 = arith.constant 16 : i32
      %add3A_16 = arith.addi %mul3A_10, %add3A_15 : i32
      %get3A_17 = arith.index_cast %add3A_16 : i32 to index
      %get3A_18 = tpu.vector_load %arg4[%get3A_17] {strides = array<i32>} : memref<8192xf32, #tpu.memory_space<vmem>>, vector<16xf32>,
      %get3A_19 = vector.shape_cast %get3A_18 : vector<16xf32> to vector<16xf32>
      %add3A_20 = arith.constant 32 : i32
      %add3A_21 = arith.addi %mul3A_10, %add3A_20 : i32
      %get3A_22 = arith.index_cast %add3A_21 : i32 to index
      %get3A_23 = tpu.vector_load %arg4[%get3A_22] {strides = array<i32>} : memref<8192xf32, #tpu.memory_space<vmem>>, vector<16xf32>,
      %get3A_24 = vector.shape_cast %get3A_23 : vector<16xf32> to vector<16xf32>
      %add3A_25 = arith.constant 48 : i32
      %add3A_26 = arith.addi %mul3A_10, %add3A_25 : i32
      %get3A_27 = arith.index_cast %add3A_26 : i32 to index
      %get3A_28 = tpu.vector_load %arg4[%get3A_27] {strides = array<i32>} : memref<8192xf32, #tpu.memory_space<vmem>>, vector<16xf32>,
      %get3A_29 = vector.shape_cast %get3A_28 : vector<16xf32> to vector<16xf32>
      %add3A_30 = arith.constant 64 : i32
      %add3A_31 = arith.addi %mul3A_10, %add3A_30 : i32
      %get3A_32 = arith.index_cast %add3A_31 : i32 to index
      %get3A_33 = tpu.vector_load %arg4[%get3A_32] {strides = array<i32>} : memref<8192xf32, #tpu.memory_space<vmem>>, vector<16xf32>,
      %get3A_34 = vector.shape_cast %get3A_33 : vector<16xf32> to vector<16xf32>
      %add3A_35 = arith.constant 80 : i32
      %add3A_36 = arith.addi %mul3A_10, %add3A_35 : i32
      %get3A_37 = arith.index_cast %add3A_36 : i32 to index
      %get3A_38 = tpu.vector_load %arg4[%get3A_37] {strides = array<i32>} : memref<8192xf32, #tpu.memory_space<vmem>>, vector<16xf32>,
      %get3A_39 = vector.shape_cast %get3A_38 : vector<16xf32> to vector<16xf32>
      %add3A_40 = arith.constant 96 : i32
      %add3A_41 = arith.addi %mul3A_10, %add3A_40 : i32
      %get3A_42 = arith.index_cast %add3A_41 : i32 to index
      %get3A_43 = tpu.vector_load %arg4[%get3A_42] {strides = array<i32>} : memref<8192xf32, #tpu.memory_space<vmem>>, vector<16xf32>,
      %get3A_44 = vector.shape_cast %get3A_43 : vector<16xf32> to vector<16xf32>
      %add3A_45 = arith.constant 112 : i32
      %add3A_46 = arith.addi %mul3A_10, %add3A_45 : i32
      %get3A_47 = arith.index_cast %add3A_46 : i32 to index
      %get3A_48 = tpu.vector_load %arg4[%get3A_47] {strides = array<i32>} : memref<8192xf32, #tpu.memory_space<vmem>>, vector<16xf32>,
      %get3A_49 = vector.shape_cast %get3A_48 : vector<16xf32> to vector<16xf32>
      %add3A_50 = arith.constant 128 : i32
      %add3A_51 = arith.addi %mul3A_10, %add3A_50 : i32
      %get3A_52 = arith.index_cast %add3A_51 : i32 to index
      %get3A_53 = tpu.vector_load %arg4[%get3A_52] {strides = array<i32>} : memref<8192xf32, #tpu.memory_space<vmem>>, vector<16xf32>,
      %get3A_54 = vector.shape_cast %get3A_53 : vector<16xf32> to vector<16xf32>
      %add3A_55 = arith.constant 144 : i32
      %add3A_56 = arith.addi %mul3A_10, %add3A_55 : i32
      %get3A_57 = arith.index_cast %add3A_56 : i32 to index
      %get3A_58 = tpu.vector_load %arg4[%get3A_57] {strides = array<i32>} : memref<8192xf32, #tpu.memory_space<vmem>>, vector<16xf32>,
      %get3A_59 = vector.shape_cast %get3A_58 : vector<16xf32> to vector<16xf32>
      %add3A_60 = arith.constant 160 : i32
      %add3A_61 = arith.addi %mul3A_10, %add3A_60 : i32
      %get3A_62 = arith.index_cast %add3A_61 : i32 to index
      %get3A_63 = tpu.vector_load %arg4[%get3A_62] {strides = array<i32>} : memref<8192xf32, #tpu.memory_space<vmem>>, vector<16xf32>,
      %get3A_64 = vector.shape_cast %get3A_63 : vector<16xf32> to vector<16xf32>
      %add3A_65 = arith.constant 176 : i32
      %add3A_66 = arith.addi %mul3A_10, %add3A_65 : i32
      %get3A_67 = arith.index_cast %add3A_66 : i32 to index
      %get3A_68 = tpu.vector_load %arg4[%get3A_67] {strides = array<i32>} : memref<8192xf32, #tpu.memory_space<vmem>>, vector<16xf32>,
      %get3A_69 = vector.shape_cast %get3A_68 : vector<16xf32> to vector<16xf32>
      %add3A_70 = arith.constant 192 : i32
      %add3A_71 = arith.addi %mul3A_10, %add3A_70 : i32
      %get3A_72 = arith.index_cast %add3A_71 : i32 to index
      %get3A_73 = tpu.vector_load %arg4[%get3A_72] {strides = array<i32>} : memref<8192xf32, #tpu.memory_space<vmem>>, vector<16xf32>,
      %get3A_74 = vector.shape_cast %get3A_73 : vector<16xf32> to vector<16xf32>
      %add3A_75 = arith.constant 208 : i32
      %add3A_76 = arith.addi %mul3A_10, %add3A_75 : i32
      %get3A_77 = arith.index_cast %add3A_76 : i32 to index
      %get3A_78 = tpu.vector_load %arg4[%get3A_77] {strides = array<i32>} : memref<8192xf32, #tpu.memory_space<vmem>>, vector<16xf32>,
      %get3A_79 = vector.shape_cast %get3A_78 : vector<16xf32> to vector<16xf32>
      %add3A_80 = arith.constant 224 : i32
      %add3A_81 = arith.addi %mul3A_10, %add3A_80 : i32
      %get3A_82 = arith.index_cast %add3A_81 : i32 to index
      %get3A_83 = tpu.vector_load %arg4[%get3A_82] {strides = array<i32>} : memref<8192xf32, #tpu.memory_space<vmem>>, vector<16xf32>,
      %get3A_84 = vector.shape_cast %get3A_83 : vector<16xf32> to vector<16xf32>
      %add3A_85 = arith.constant 240 : i32
      %add3A_86 = arith.addi %mul3A_10, %add3A_85 : i32
      %get3A_87 = arith.index_cast %add3A_86 : i32 to index
      %get3A_88 = tpu.vector_load %arg4[%get3A_87] {strides = array<i32>} : memref<8192xf32, #tpu.memory_space<vmem>>, vector<16xf32>,
      %get3A_89 = vector.shape_cast %get3A_88 : vector<16xf32> to vector<16xf32>
      %max3A = arith.maximumf %get3A_14, %get3A_19 : vector<16xf32>
      %max3A_90 = arith.maximumf %max3A, %get3A_24 : vector<16xf32>
      %max3A_91 = arith.maximumf %max3A_90, %get3A_29 : vector<16xf32>
      %max3A_92 = arith.maximumf %max3A_91, %get3A_34 : vector<16xf32>
      %max3A_93 = arith.maximumf %max3A_92, %get3A_39 : vector<16xf32>
      %max3A_94 = arith.maximumf %max3A_93, %get3A_44 : vector<16xf32>
      %max3A_95 = arith.maximumf %max3A_94, %get3A_49 : vector<16xf32>
      %max3A_96 = arith.maximumf %max3A_95, %get3A_54 : vector<16xf32>
      %max3A_97 = arith.maximumf %max3A_96, %get3A_59 : vector<16xf32>
      %max3A_98 = arith.maximumf %max3A_97, %get3A_64 : vector<16xf32>
      %max3A_99 = arith.maximumf %max3A_98, %get3A_69 : vector<16xf32>
      %max3A_100 = arith.maximumf %max3A_99, %get3A_74 : vector<16xf32>
      %max3A_101 = arith.maximumf %max3A_100, %get3A_79 : vector<16xf32>
      %max3A_102 = arith.maximumf %max3A_101, %get3A_84 : vector<16xf32>
      %max3A_103 = arith.maximumf %max3A_102, %get3A_89 : vector<16xf32>
      %sub3A = arith.subf %get3A_14, %max3A_103 : vector<16xf32>
      %exp3A = math.exp %sub3A : vector<16xf32>
      %sub3A_104 = arith.subf %get3A_19, %max3A_103 : vector<16xf32>
      %exp3A_105 = math.exp %sub3A_104 : vector<16xf32>
      %sub3A_106 = arith.subf %get3A_24, %max3A_103 : vector<16xf32>
      %exp3A_107 = math.exp %sub3A_106 : vector<16xf32>
      %sub3A_108 = arith.subf %get3A_29, %max3A_103 : vector<16xf32>
      %exp3A_109 = math.exp %sub3A_108 : vector<16xf32>
      %sub3A_110 = arith.subf %get3A_34, %max3A_103 : vector<16xf32>
      %exp3A_111 = math.exp %sub3A_110 : vector<16xf32>
      %sub3A_112 = arith.subf %get3A_39, %max3A_103 : vector<16xf32>
      %exp3A_113 = math.exp %sub3A_112 : vector<16xf32>
      %sub3A_114 = arith.subf %get3A_44, %max3A_103 : vector<16xf32>
      %exp3A_115 = math.exp %sub3A_114 : vector<16xf32>
      %sub3A_116 = arith.subf %get3A_49, %max3A_103 : vector<16xf32>
      %exp3A_117 = math.exp %sub3A_116 : vector<16xf32>
      %sub3A_118 = arith.subf %get3A_54, %max3A_103 : vector<16xf32>
      %exp3A_119 = math.exp %sub3A_118 : vector<16xf32>
      %sub3A_120 = arith.subf %get3A_59, %max3A_103 : vector<16xf32>
      %exp3A_121 = math.exp %sub3A_120 : vector<16xf32>
      %sub3A_122 = arith.subf %get3A_64, %max3A_103 : vector<16xf32>
      %exp3A_123 = math.exp %sub3A_122 : vector<16xf32>
      %sub3A_124 = arith.subf %get3A_69, %max3A_103 : vector<16xf32>
      %exp3A_125 = math.exp %sub3A_124 : vector<16xf32>
      %sub3A_126 = arith.subf %get3A_74, %max3A_103 : vector<16xf32>
      %exp3A_127 = math.exp %sub3A_126 : vector<16xf32>
      %sub3A_128 = arith.subf %get3A_79, %max3A_103 : vector<16xf32>
      %exp3A_129 = math.exp %sub3A_128 : vector<16xf32>
      %sub3A_130 = arith.subf %get3A_84, %max3A_103 : vector<16xf32>
      %exp3A_131 = math.exp %sub3A_130 : vector<16xf32>
      %sub3A_132 = arith.subf %get3A_89, %max3A_103 : vector<16xf32>
      %exp3A_133 = math.exp %sub3A_132 : vector<16xf32>
      %add3A_134 = arith.addf %exp3A, %exp3A_105 : vector<16xf32>
      %add3A_135 = arith.addf %add3A_134, %exp3A_107 : vector<16xf32>
      %add3A_136 = arith.addf %add3A_135, %exp3A_109 : vector<16xf32>
      %add3A_137 = arith.addf %add3A_136, %exp3A_111 : vector<16xf32>
      %add3A_138 = arith.addf %add3A_137, %exp3A_113 : vector<16xf32>
      %add3A_139 = arith.addf %add3A_138, %exp3A_115 : vector<16xf32>
      %add3A_140 = arith.addf %add3A_139, %exp3A_117 : vector<16xf32>
      %add3A_141 = arith.addf %add3A_140, %exp3A_119 : vector<16xf32>
      %add3A_142 = arith.addf %add3A_141, %exp3A_121 : vector<16xf32>
      %add3A_143 = arith.addf %add3A_142, %exp3A_123 : vector<16xf32>
      %add3A_144 = arith.addf %add3A_143, %exp3A_125 : vector<16xf32>
      %add3A_145 = arith.addf %add3A_144, %exp3A_127 : vector<16xf32>
      %add3A_146 = arith.addf %add3A_145, %exp3A_129 : vector<16xf32>
      %add3A_147 = arith.addf %add3A_146, %exp3A_131 : vector<16xf32>
      %add3A_148 = arith.addf %add3A_147, %exp3A_133 : vector<16xf32>
      %div3A = arith.constant 1.000000e+00 : f32
      %div3A_149 = vector.broadcast %div3A : f32 to vector<16xf32>
      %div3A_150 = arith.divf %div3A_149, %add3A_148 : vector<16xf32>
      %mul3A_151 = arith.mulf %exp3A, %div3A_150 : vector<16xf32>
      %add3A_152 = arith.constant 0 : i32
      %add3A_153 = arith.addi %mul3A_10, %add3A_152 : i32
      %swap3A = arith.index_cast %add3A_153 : i32 to index
      %swap3A_154 = tpu.vector_load %arg5[%swap3A] {strides = array<i32>} : memref<8192xf32, #tpu.memory_space<vmem>>, vector<16xf32>,
      %swap3A_155 = vector.shape_cast %swap3A_154 : vector<16xf32> to vector<16xf32>
      %swap3A_156 = vector.shape_cast %mul3A_151 : vector<16xf32> to vector<16xf32>
      tpu.vector_store %arg5[%swap3A], %swap3A_156 {strides = array<i32>} : memref<8192xf32, #tpu.memory_space<vmem>>, vector<16xf32>,
      %mul3A_157 = arith.mulf %exp3A_105, %div3A_150 : vector<16xf32>
      %add3A_158 = arith.constant 16 : i32
      %add3A_159 = arith.addi %mul3A_10, %add3A_158 : i32
      %swap3A_160 = arith.index_cast %add3A_159 : i32 to index
      %swap3A_161 = tpu.vector_load %arg5[%swap3A_160] {strides = array<i32>} : memref<8192xf32, #tpu.memory_space<vmem>>, vector<16xf32>,
      %swap3A_162 = vector.shape_cast %swap3A_161 : vector<16xf32> to vector<16xf32>
      %swap3A_163 = vector.shape_cast %mul3A_157 : vector<16xf32> to vector<16xf32>
      tpu.vector_store %arg5[%swap3A_160], %swap3A_163 {strides = array<i32>} : memref<8192xf32, #tpu.memory_space<vmem>>, vector<16xf32>,
      %mul3A_164 = arith.mulf %exp3A_107, %div3A_150 : vector<16xf32>
      %add3A_165 = arith.constant 32 : i32
      %add3A_166 = arith.addi %mul3A_10, %add3A_165 : i32
      %swap3A_167 = arith.index_cast %add3A_166 : i32 to index
      %swap3A_168 = tpu.vector_load %arg5[%swap3A_167] {strides = array<i32>} : memref<8192xf32, #tpu.memory_space<vmem>>, vector<16xf32>,
      %swap3A_169 = vector.shape_cast %swap3A_168 : vector<16xf32> to vector<16xf32>
      %swap3A_170 = vector.shape_cast %mul3A_164 : vector<16xf32> to vector<16xf32>
      tpu.vector_store %arg5[%swap3A_167], %swap3A_170 {strides = array<i32>} : memref<8192xf32, #tpu.memory_space<vmem>>, vector<16xf32>,
      %mul3A_171 = arith.mulf %exp3A_109, %div3A_150 : vector<16xf32>
      %add3A_172 = arith.constant 48 : i32
      %add3A_173 = arith.addi %mul3A_10, %add3A_172 : i32
      %swap3A_174 = arith.index_cast %add3A_173 : i32 to index
      %swap3A_175 = tpu.vector_load %arg5[%swap3A_174] {strides = array<i32>} : memref<8192xf32, #tpu.memory_space<vmem>>, vector<16xf32>,
      %swap3A_176 = vector.shape_cast %swap3A_175 : vector<16xf32> to vector<16xf32>
      %swap3A_177 = vector.shape_cast %mul3A_171 : vector<16xf32> to vector<16xf32>
      tpu.vector_store %arg5[%swap3A_174], %swap3A_177 {strides = array<i32>} : memref<8192xf32, #tpu.memory_space<vmem>>, vector<16xf32>,
      %mul3A_178 = arith.mulf %exp3A_111, %div3A_150 : vector<16xf32>
      %add3A_179 = arith.constant 64 : i32
      %add3A_180 = arith.addi %mul3A_10, %add3A_179 : i32
      %swap3A_181 = arith.index_cast %add3A_180 : i32 to index
      %swap3A_182 = tpu.vector_load %arg5[%swap3A_181] {strides = array<i32>} : memref<8192xf32, #tpu.memory_space<vmem>>, vector<16xf32>,
      %swap3A_183 = vector.shape_cast %swap3A_182 : vector<16xf32> to vector<16xf32>
      %swap3A_184 = vector.shape_cast %mul3A_178 : vector<16xf32> to vector<16xf32>
      tpu.vector_store %arg5[%swap3A_181], %swap3A_184 {strides = array<i32>} : memref<8192xf32, #tpu.memory_space<vmem>>, vector<16xf32>,
      %mul3A_185 = arith.mulf %exp3A_113, %div3A_150 : vector<16xf32>
      %add3A_186 = arith.constant 80 : i32
      %add3A_187 = arith.addi %mul3A_10, %add3A_186 : i32
      %swap3A_188 = arith.index_cast %add3A_187 : i32 to index
      %swap3A_189 = tpu.vector_load %arg5[%swap3A_188] {strides = array<i32>} : memref<8192xf32, #tpu.memory_space<vmem>>, vector<16xf32>,
      %swap3A_190 = vector.shape_cast %swap3A_189 : vector<16xf32> to vector<16xf32>
      %swap3A_191 = vector.shape_cast %mul3A_185 : vector<16xf32> to vector<16xf32>
      tpu.vector_store %arg5[%swap3A_188], %swap3A_191 {strides = array<i32>} : memref<8192xf32, #tpu.memory_space<vmem>>, vector<16xf32>,
      %mul3A_192 = arith.mulf %exp3A_115, %div3A_150 : vector<16xf32>
      %add3A_193 = arith.constant 96 : i32
      %add3A_194 = arith.addi %mul3A_10, %add3A_193 : i32
      %swap3A_195 = arith.index_cast %add3A_194 : i32 to index
      %swap3A_196 = tpu.vector_load %arg5[%swap3A_195] {strides = array<i32>} : memref<8192xf32, #tpu.memory_space<vmem>>, vector<16xf32>,
      %swap3A_197 = vector.shape_cast %swap3A_196 : vector<16xf32> to vector<16xf32>
      %swap3A_198 = vector.shape_cast %mul3A_192 : vector<16xf32> to vector<16xf32>
      tpu.vector_store %arg5[%swap3A_195], %swap3A_198 {strides = array<i32>} : memref<8192xf32, #tpu.memory_space<vmem>>, vector<16xf32>,
      %mul3A_199 = arith.mulf %exp3A_117, %div3A_150 : vector<16xf32>
      %add3A_200 = arith.constant 112 : i32
      %add3A_201 = arith.addi %mul3A_10, %add3A_200 : i32
      %swap3A_202 = arith.index_cast %add3A_201 : i32 to index
      %swap3A_203 = tpu.vector_load %arg5[%swap3A_202] {strides = array<i32>} : memref<8192xf32, #tpu.memory_space<vmem>>, vector<16xf32>,
      %swap3A_204 = vector.shape_cast %swap3A_203 : vector<16xf32> to vector<16xf32>
      %swap3A_205 = vector.shape_cast %mul3A_199 : vector<16xf32> to vector<16xf32>
      tpu.vector_store %arg5[%swap3A_202], %swap3A_205 {strides = array<i32>} : memref<8192xf32, #tpu.memory_space<vmem>>, vector<16xf32>,
      %mul3A_206 = arith.mulf %exp3A_119, %div3A_150 : vector<16xf32>
      %add3A_207 = arith.constant 128 : i32
      %add3A_208 = arith.addi %mul3A_10, %add3A_207 : i32
      %swap3A_209 = arith.index_cast %add3A_208 : i32 to index
      %swap3A_210 = tpu.vector_load %arg5[%swap3A_209] {strides = array<i32>} : memref<8192xf32, #tpu.memory_space<vmem>>, vector<16xf32>,
      %swap3A_211 = vector.shape_cast %swap3A_210 : vector<16xf32> to vector<16xf32>
      %swap3A_212 = vector.shape_cast %mul3A_206 : vector<16xf32> to vector<16xf32>
      tpu.vector_store %arg5[%swap3A_209], %swap3A_212 {strides = array<i32>} : memref<8192xf32, #tpu.memory_space<vmem>>, vector<16xf32>,
      %mul3A_213 = arith.mulf %exp3A_121, %div3A_150 : vector<16xf32>
      %add3A_214 = arith.constant 144 : i32
      %add3A_215 = arith.addi %mul3A_10, %add3A_214 : i32
      %swap3A_216 = arith.index_cast %add3A_215 : i32 to index
      %swap3A_217 = tpu.vector_load %arg5[%swap3A_216] {strides = array<i32>} : memref<8192xf32, #tpu.memory_space<vmem>>, vector<16xf32>,
      %swap3A_218 = vector.shape_cast %swap3A_217 : vector<16xf32> to vector<16xf32>
      %swap3A_219 = vector.shape_cast %mul3A_213 : vector<16xf32> to vector<16xf32>
      tpu.vector_store %arg5[%swap3A_216], %swap3A_219 {strides = array<i32>} : memref<8192xf32, #tpu.memory_space<vmem>>, vector<16xf32>,
      %mul3A_220 = arith.mulf %exp3A_123, %div3A_150 : vector<16xf32>
      %add3A_221 = arith.constant 160 : i32
      %add3A_222 = arith.addi %mul3A_10, %add3A_221 : i32
      %swap3A_223 = arith.index_cast %add3A_222 : i32 to index
      %swap3A_224 = tpu.vector_load %arg5[%swap3A_223] {strides = array<i32>} : memref<8192xf32, #tpu.memory_space<vmem>>, vector<16xf32>,
      %swap3A_225 = vector.shape_cast %swap3A_224 : vector<16xf32> to vector<16xf32>
      %swap3A_226 = vector.shape_cast %mul3A_220 : vector<16xf32> to vector<16xf32>
      tpu.vector_store %arg5[%swap3A_223], %swap3A_226 {strides = array<i32>} : memref<8192xf32, #tpu.memory_space<vmem>>, vector<16xf32>,
      %mul3A_227 = arith.mulf %exp3A_125, %div3A_150 : vector<16xf32>
      %add3A_228 = arith.constant 176 : i32
      %add3A_229 = arith.addi %mul3A_10, %add3A_228 : i32
      %swap3A_230 = arith.index_cast %add3A_229 : i32 to index
      %swap3A_231 = tpu.vector_load %arg5[%swap3A_230] {strides = array<i32>} : memref<8192xf32, #tpu.memory_space<vmem>>, vector<16xf32>,
      %swap3A_232 = vector.shape_cast %swap3A_231 : vector<16xf32> to vector<16xf32>
      %swap3A_233 = vector.shape_cast %mul3A_227 : vector<16xf32> to vector<16xf32>
      tpu.vector_store %arg5[%swap3A_230], %swap3A_233 {strides = array<i32>} : memref<8192xf32, #tpu.memory_space<vmem>>, vector<16xf32>,
      %mul3A_234 = arith.mulf %exp3A_127, %div3A_150 : vector<16xf32>
      %add3A_235 = arith.constant 192 : i32
      %add3A_236 = arith.addi %mul3A_10, %add3A_235 : i32
      %swap3A_237 = arith.index_cast %add3A_236 : i32 to index
      %swap3A_238 = tpu.vector_load %arg5[%swap3A_237] {strides = array<i32>} : memref<8192xf32, #tpu.memory_space<vmem>>, vector<16xf32>,
      %swap3A_239 = vector.shape_cast %swap3A_238 : vector<16xf32> to vector<16xf32>
      %swap3A_240 = vector.shape_cast %mul3A_234 : vector<16xf32> to vector<16xf32>
      tpu.vector_store %arg5[%swap3A_237], %swap3A_240 {strides = array<i32>} : memref<8192xf32, #tpu.memory_space<vmem>>, vector<16xf32>,
      %mul3A_241 = arith.mulf %exp3A_129, %div3A_150 : vector<16xf32>
      %add3A_242 = arith.constant 208 : i32
      %add3A_243 = arith.addi %mul3A_10, %add3A_242 : i32
      %swap3A_244 = arith.index_cast %add3A_243 : i32 to index
      %swap3A_245 = tpu.vector_load %arg5[%swap3A_244] {strides = array<i32>} : memref<8192xf32, #tpu.memory_space<vmem>>, vector<16xf32>,
      %swap3A_246 = vector.shape_cast %swap3A_245 : vector<16xf32> to vector<16xf32>
      %swap3A_247 = vector.shape_cast %mul3A_241 : vector<16xf32> to vector<16xf32>
      tpu.vector_store %arg5[%swap3A_244], %swap3A_247 {strides = array<i32>} : memref<8192xf32, #tpu.memory_space<vmem>>, vector<16xf32>,
      %mul3A_248 = arith.mulf %exp3A_131, %div3A_150 : vector<16xf32>
      %add3A_249 = arith.constant 224 : i32
      %add3A_250 = arith.addi %mul3A_10, %add3A_249 : i32
      %swap3A_251 = arith.index_cast %add3A_250 : i32 to index
      %swap3A_252 = tpu.vector_load %arg5[%swap3A_251] {strides = array<i32>} : memref<8192xf32, #tpu.memory_space<vmem>>, vector<16xf32>,
      %swap3A_253 = vector.shape_cast %swap3A_252 : vector<16xf32> to vector<16xf32>
      %swap3A_254 = vector.shape_cast %mul3A_248 : vector<16xf32> to vector<16xf32>
      tpu.vector_store %arg5[%swap3A_251], %swap3A_254 {strides = array<i32>} : memref<8192xf32, #tpu.memory_space<vmem>>, vector<16xf32>,
      %mul3A_255 = arith.mulf %exp3A_133, %div3A_150 : vector<16xf32>
      %add3A_256 = arith.constant 240 : i32
      %add3A_257 = arith.addi %mul3A_10, %add3A_256 : i32
      %swap3A_258 = arith.index_cast %add3A_257 : i32 to index
      %swap3A_259 = tpu.vector_load %arg5[%swap3A_258] {strides = array<i32>} : memref<8192xf32, #tpu.memory_space<vmem>>, vector<16xf32>,
      %swap3A_260 = vector.shape_cast %swap3A_259 : vector<16xf32> to vector<16xf32>
      %swap3A_261 = vector.shape_cast %mul3A_255 : vector<16xf32> to vector<16xf32>
      tpu.vector_store %arg5[%swap3A_258], %swap3A_261 {strides = array<i32>} : memref<8192xf32, #tpu.memory_space<vmem>>, vector<16xf32>,
    }
    %scan3A_7 = arith.constant 32 : i32
    "tpu.region"() ({
      %run_scoped3A = tpu.sem_alloc : memref<!tpu.dma_semaphore, #tpu.memory_space<semaphore_mem>>
      %dma_start3A = tpu.memref_slice %arg3[%mul3A_2] : memref<262144xf32, #tpu.memory_space<hbm>> -> memref<8192xf32, #tpu.memory_space<hbm>>
      %dma_start3A_8 = tpu.memref_slice %arg3[%mul3A_2] : memref<262144xf32, #tpu.memory_space<hbm>> -> memref<8192xf32, #tpu.memory_space<hbm>>
      tpu.enqueue_dma source(%arg5 : memref<8192xf32, #tpu.memory_space<vmem>>) target(%dma_start3A_8 : memref<8192xf32, #tpu.memory_space<hbm>>) target_semaphore(%run_scoped3A : memref<!tpu.dma_semaphore, #tpu.memory_space<semaphore_mem>>)
      %dma_wait3A = tpu.memref_slice %arg3[%mul3A_2] : memref<262144xf32, #tpu.memory_space<hbm>> -> memref<8192xf32, #tpu.memory_space<hbm>>
      %dma_wait3A_9 = tpu.memref_slice %arg3[%mul3A_2] : memref<262144xf32, #tpu.memory_space<hbm>> -> memref<8192xf32, #tpu.memory_space<hbm>>
      tpu.wait_dma2 semaphore(%run_scoped3A : memref<!tpu.dma_semaphore, #tpu.memory_space<semaphore_mem>>) src(%arg5 : memref<8192xf32, #tpu.memory_space<vmem>>) dst(%dma_wait3A_9 : memref<8192xf32, #tpu.memory_space<hbm>>)
      tpu.yield
    }) : () -> ()
    return
  }
}

module attributes {stable_mosaic.version = 14 : i64} {
  func.func @_attn_body(%arg0: i32, %arg1: memref<512x128xf32, #tpu.memory_space<vmem>>, %arg2: memref<8192x3xf32, #tpu.memory_space<vmem>>, %arg3: memref<128x128xf32, #tpu.memory_space<vmem>>, %arg4: memref<128x128xf32, #tpu.memory_space<vmem>>, %arg5: memref<128x3xf32, #tpu.memory_space<vmem>>, %arg6: memref<1x128xf32, #tpu.memory_space<vmem>>, %arg7: memref<1x128xf32, #tpu.memory_space<vmem>>, %arg8: memref<1x128xf32, #tpu.memory_space<vmem>>, %arg9: memref<8192x1xf32, #tpu.memory_space<vmem>>) attributes {dimension_semantics = [#tpu.dimension_semantics<arbitrary>], iteration_bounds = array<i64: 32>, scalar_prefetch = 0 : i64, scratch_operands = 0 : i64, tpu.core_type = #tpu.core_type<tc>, window_params = [{transform_indices = @transform_0, window_bounds = array<i64: 512, 128>}, {transform_indices = @transform_1, window_bounds = array<i64: 8192, 3>}, {pipeline_mode = #tpu.pipeline_mode<synchronous>, transform_indices = @transform_2, window_bounds = array<i64: 128, 128>}, {pipeline_mode = #tpu.pipeline_mode<synchronous>, transform_indices = @transform_3, window_bounds = array<i64: 128, 128>}, {pipeline_mode = #tpu.pipeline_mode<synchronous>, transform_indices = @transform_4, window_bounds = array<i64: 128, 3>}, {pipeline_mode = #tpu.pipeline_mode<synchronous>, transform_indices = @transform_5, window_bounds = array<i64: 1, 128>}, {pipeline_mode = #tpu.pipeline_mode<synchronous>, transform_indices = @transform_6, window_bounds = array<i64: 1, 128>}, {pipeline_mode = #tpu.pipeline_mode<synchronous>, transform_indices = @transform_7, window_bounds = array<i64: 1, 128>}, {transform_indices = @transform_8, window_bounds = array<i64: 8192, 1>}]} {
    %get3A = arith.constant 0 : index
    %get3A_0 = arith.constant 0 : index
    %get3A_1 = vector.load %arg1[%get3A, %get3A_0] : memref<512x128xf32, #tpu.memory_space<vmem>>, vector<512x128xf32>
    %get3A_2 = arith.constant 0 : index
    %get3A_3 = arith.constant 0 : index
    %get3A_4 = vector.load %arg3[%get3A_2, %get3A_3] : memref<128x128xf32, #tpu.memory_space<vmem>>, vector<128x128xf32>
    %dot_general3A = arith.constant dense<0.000000e+00> : vector<512x128xf32>
    %dot_general3A_5 = tpu.matmul %get3A_1, %get3A_4, %dot_general3A {dimension_numbers = #tpu.dot_dimension_numbers<[1], [1], [0], [0], [0, 0, 1, 0], [], []>, transpose_lhs_hint = false} : vector<512x128xf32>, vector<128x128xf32>, vector<512x128xf32> -> vector<512x128xf32>
    %get3A_6 = arith.constant 0 : index
    %get3A_7 = arith.constant 0 : index
    %get3A_8 = vector.load %arg7[%get3A_6, %get3A_7] : memref<1x128xf32, #tpu.memory_space<vmem>>, vector<1x128xf32>
    %add3A = vector.broadcast %get3A_8 : vector<1x128xf32> to vector<512x128xf32>
    %add3A_9 = arith.addf %dot_general3A_5, %add3A : vector<512x128xf32>
    %get3A_10 = arith.constant 0 : index
    %get3A_11 = arith.constant 0 : index
    %get3A_12 = vector.load %arg4[%get3A_10, %get3A_11] : memref<128x128xf32, #tpu.memory_space<vmem>>, vector<128x128xf32>
    %dot_general3A_13 = arith.constant dense<0.000000e+00> : vector<512x128xf32>
    %dot_general3A_14 = tpu.matmul %get3A_1, %get3A_12, %dot_general3A_13 {dimension_numbers = #tpu.dot_dimension_numbers<[1], [1], [0], [0], [0, 0, 1, 0], [], []>, transpose_lhs_hint = false} : vector<512x128xf32>, vector<128x128xf32>, vector<512x128xf32> -> vector<512x128xf32>
    %get3A_15 = arith.constant 0 : index
    %get3A_16 = arith.constant 0 : index
    %get3A_17 = vector.load %arg8[%get3A_15, %get3A_16] : memref<1x128xf32, #tpu.memory_space<vmem>>, vector<1x128xf32>
    %add3A_18 = vector.broadcast %get3A_17 : vector<1x128xf32> to vector<512x128xf32>
    %add3A_19 = arith.addf %dot_general3A_14, %add3A_18 : vector<512x128xf32>
    %get3A_20 = arith.constant 0 : index
    %get3A_21 = arith.constant 0 : index
    %get3A_22 = vector.load %arg2[%get3A_20, %get3A_21] : memref<8192x3xf32, #tpu.memory_space<vmem>>, vector<8192x3xf32>
    %get3A_23 = arith.constant 0 : index
    %get3A_24 = arith.constant 0 : index
    %get3A_25 = vector.load %arg5[%get3A_23, %get3A_24] : memref<128x3xf32, #tpu.memory_space<vmem>>, vector<128x3xf32>
    %dot_general3A_26 = arith.constant dense<0.000000e+00> : vector<8192x128xf32>
    %dot_general3A_27 = tpu.matmul %get3A_22, %get3A_25, %dot_general3A_26 {dimension_numbers = #tpu.dot_dimension_numbers<[1], [1], [0], [0], [0, 0, 1, 0], [], []>, transpose_lhs_hint = false} : vector<8192x3xf32>, vector<128x3xf32>, vector<8192x128xf32> -> vector<8192x128xf32>
    %reshape3A = vector.shape_cast %add3A_9 : vector<512x128xf32> to vector<32x16x1x128xf32>
    %reshape3A_28 = vector.shape_cast %add3A_19 : vector<512x128xf32> to vector<32x1x16x128xf32>
    %add3A_29 = vector.broadcast %reshape3A : vector<32x16x1x128xf32> to vector<32x16x16x128xf32>
    %add3A_30 = vector.broadcast %reshape3A_28 : vector<32x1x16x128xf32> to vector<32x16x16x128xf32>
    %add3A_31 = arith.addf %add3A_29, %add3A_30 : vector<32x16x16x128xf32>
    %reshape3A_32 = vector.shape_cast %dot_general3A_27 : vector<8192x128xf32> to vector<32x16x16x128xf32>
    %add3A_33 = arith.addf %add3A_31, %reshape3A_32 : vector<32x16x16x128xf32>
    %reshape3A_34 = vector.shape_cast %add3A_33 : vector<32x16x16x128xf32> to vector<8192x128xf32>
    %gt3A = arith.constant 0.000000e+00 : f32
    %gt3A_35 = vector.broadcast %gt3A : f32 to vector<8192x128xf32>
    %gt3A_36 = arith.cmpf ogt, %reshape3A_34, %gt3A_35 : vector<8192x128xf32>
    %mul3A = arith.constant 2.000000e-01 : f32
    %mul3A_37 = vector.broadcast %mul3A : f32 to vector<8192x128xf32>
    %mul3A_38 = arith.mulf %mul3A_37, %reshape3A_34 : vector<8192x128xf32>
    %select_n3A = arith.select %gt3A_36, %reshape3A_34, %mul3A_38 : vector<8192x128xi1>, vector<8192x128xf32>
    %get3A_39 = arith.constant 0 : index
    %get3A_40 = arith.constant 0 : index
    %get3A_41 = vector.load %arg6[%get3A_39, %get3A_40] : memref<1x128xf32, #tpu.memory_space<vmem>>, vector<1x128xf32>
    %mul3A_42 = vector.broadcast %get3A_41 : vector<1x128xf32> to vector<8192x128xf32>
    %mul3A_43 = arith.mulf %select_n3A, %mul3A_42 : vector<8192x128xf32>
    %reduce_sum3A = arith.constant dense<0.000000e+00> : vector<8192xf32>
    %reduce_sum3A_44 = vector.multi_reduction <add>, %mul3A_43, %reduce_sum3A [1] : vector<8192x128xf32> to vector<8192xf32>
    %broadcast_in_dim3A = vector.shape_cast %reduce_sum3A_44 : vector<8192xf32> to vector<8192x1xf32>
    %swap3A = arith.constant 0 : index
    %swap3A_45 = arith.constant 0 : index
    %swap3A_46 = vector.load %arg9[%swap3A, %swap3A_45] : memref<8192x1xf32, #tpu.memory_space<vmem>>, vector<8192x1xf32>
    tpu.vector_store %arg9[%swap3A, %swap3A_45], %broadcast_in_dim3A {strides = array<i32>} : memref<8192x1xf32, #tpu.memory_space<vmem>>, vector<8192x1xf32>,
    return
  }
  func.func @transform_0(%arg0: i32) -> (i32, i32) {
    %c0_i32 = arith.constant 0 : i32
    %c0_i32_0 = arith.constant 0 : i32
    return %arg0, %c0_i32 : i32, i32
  }
  func.func @transform_1(%arg0: i32) -> (i32, i32) {
    %c0_i32 = arith.constant 0 : i32
    %c0_i32_0 = arith.constant 0 : i32
    return %arg0, %c0_i32 : i32, i32
  }
  func.func @transform_2(%arg0: i32) -> (i32, i32) {
    %c0_i32 = arith.constant 0 : i32
    %c0_i32_0 = arith.constant 0 : i32
    %c0_i32_1 = arith.constant 0 : i32
    return %c0_i32, %c0_i32_0 : i32, i32
  }
  func.func @transform_3(%arg0: i32) -> (i32, i32) {
    %c0_i32 = arith.constant 0 : i32
    %c0_i32_0 = arith.constant 0 : i32
    %c0_i32_1 = arith.constant 0 : i32
    return %c0_i32, %c0_i32_0 : i32, i32
  }
  func.func @transform_4(%arg0: i32) -> (i32, i32) {
    %c0_i32 = arith.constant 0 : i32
    %c0_i32_0 = arith.constant 0 : i32
    %c0_i32_1 = arith.constant 0 : i32
    return %c0_i32, %c0_i32_0 : i32, i32
  }
  func.func @transform_5(%arg0: i32) -> (i32, i32) {
    %c0_i32 = arith.constant 0 : i32
    %c0_i32_0 = arith.constant 0 : i32
    %c0_i32_1 = arith.constant 0 : i32
    return %c0_i32, %c0_i32_0 : i32, i32
  }
  func.func @transform_6(%arg0: i32) -> (i32, i32) {
    %c0_i32 = arith.constant 0 : i32
    %c0_i32_0 = arith.constant 0 : i32
    %c0_i32_1 = arith.constant 0 : i32
    return %c0_i32, %c0_i32_0 : i32, i32
  }
  func.func @transform_7(%arg0: i32) -> (i32, i32) {
    %c0_i32 = arith.constant 0 : i32
    %c0_i32_0 = arith.constant 0 : i32
    %c0_i32_1 = arith.constant 0 : i32
    return %c0_i32, %c0_i32_0 : i32, i32
  }
  func.func @transform_8(%arg0: i32) -> (i32, i32) {
    %c0_i32 = arith.constant 0 : i32
    %c0_i32_0 = arith.constant 0 : i32
    return %arg0, %c0_i32 : i32, i32
  }
}

module attributes {stable_mosaic.version = 14 : i64} {
  func.func @_gru_body(%arg0: i32, %arg1: memref<1024x128xf32, #tpu.memory_space<vmem>>, %arg2: memref<1024x128xf32, #tpu.memory_space<vmem>>, %arg3: memref<128x128xf32, #tpu.memory_space<vmem>>, %arg4: memref<1x128xf32, #tpu.memory_space<vmem>>, %arg5: memref<1024x16xf32, #tpu.memory_space<vmem>>, %arg6: memref<384x256xf32, #tpu.memory_space<vmem>>, %arg7: memref<384x128xf32, #tpu.memory_space<vmem>>, %arg8: memref<32x128xf32, #tpu.memory_space<vmem>>, %arg9: memref<1x128xf32, #tpu.memory_space<vmem>>, %arg10: memref<1x384xf32, #tpu.memory_space<vmem>>, %arg11: memref<1x384xf32, #tpu.memory_space<vmem>>, %arg12: memref<1x32xf32, #tpu.memory_space<vmem>>, %arg13: memref<1024x128xf32, #tpu.memory_space<vmem>>, %arg14: memref<1024x32xf32, #tpu.memory_space<vmem>>) attributes {dimension_semantics = [#tpu.dimension_semantics<arbitrary>], iteration_bounds = array<i64: 16>, scalar_prefetch = 0 : i64, scratch_operands = 0 : i64, tpu.core_type = #tpu.core_type<tc>, window_params = [{transform_indices = @transform_0, window_bounds = array<i64: 1024, 128>}, {transform_indices = @transform_1, window_bounds = array<i64: 1024, 128>}, {pipeline_mode = #tpu.pipeline_mode<synchronous>, transform_indices = @transform_2, window_bounds = array<i64: 128, 128>}, {pipeline_mode = #tpu.pipeline_mode<synchronous>, transform_indices = @transform_3, window_bounds = array<i64: 1, 128>}, {transform_indices = @transform_4, window_bounds = array<i64: 1024, 16>}, {pipeline_mode = #tpu.pipeline_mode<synchronous>, transform_indices = @transform_5, window_bounds = array<i64: 384, 256>}, {pipeline_mode = #tpu.pipeline_mode<synchronous>, transform_indices = @transform_6, window_bounds = array<i64: 384, 128>}, {pipeline_mode = #tpu.pipeline_mode<synchronous>, transform_indices = @transform_7, window_bounds = array<i64: 32, 128>}, {pipeline_mode = #tpu.pipeline_mode<synchronous>, transform_indices = @transform_8, window_bounds = array<i64: 1, 128>}, {pipeline_mode = #tpu.pipeline_mode<synchronous>, transform_indices = @transform_9, window_bounds = array<i64: 1, 384>}, {pipeline_mode = #tpu.pipeline_mode<synchronous>, transform_indices = @transform_10, window_bounds = array<i64: 1, 384>}, {pipeline_mode = #tpu.pipeline_mode<synchronous>, transform_indices = @transform_11, window_bounds = array<i64: 1, 32>}, {transform_indices = @transform_12, window_bounds = array<i64: 1024, 128>}, {transform_indices = @transform_13, window_bounds = array<i64: 1024, 32>}]} {
    %get3A = arith.constant 0 : index
    %get3A_0 = arith.constant 0 : index
    %get3A_1 = vector.load %arg5[%get3A, %get3A_0] : memref<1024x16xf32, #tpu.memory_space<vmem>>, vector<1024x16xf32>
    %reshape3A = vector.shape_cast %get3A_1 : vector<1024x16xf32> to vector<64x16x16xf32>
    %get3A_2 = arith.constant 0 : index
    %get3A_3 = arith.constant 0 : index
    %get3A_4 = vector.load %arg1[%get3A_2, %get3A_3] : memref<1024x128xf32, #tpu.memory_space<vmem>>, vector<1024x128xf32>
    %get3A_5 = arith.constant 0 : index
    %get3A_6 = arith.constant 0 : index
    %get3A_7 = vector.load %arg3[%get3A_5, %get3A_6] : memref<128x128xf32, #tpu.memory_space<vmem>>, vector<128x128xf32>
    %dot_general3A = arith.constant dense<0.000000e+00> : vector<1024x128xf32>
    %dot_general3A_8 = tpu.matmul %get3A_4, %get3A_7, %dot_general3A {dimension_numbers = #tpu.dot_dimension_numbers<[1], [1], [0], [0], [0, 0, 1, 0], [], []>, transpose_lhs_hint = false} : vector<1024x128xf32>, vector<128x128xf32>, vector<1024x128xf32> -> vector<1024x128xf32>
    %get3A_9 = arith.constant 0 : index
    %get3A_10 = arith.constant 0 : index
    %get3A_11 = vector.load %arg4[%get3A_9, %get3A_10] : memref<1x128xf32, #tpu.memory_space<vmem>>, vector<1x128xf32>
    %add3A = vector.broadcast %get3A_11 : vector<1x128xf32> to vector<1024x128xf32>
    %add3A_12 = arith.addf %dot_general3A_8, %add3A : vector<1024x128xf32>
    %reshape3A_13 = vector.shape_cast %add3A_12 : vector<1024x128xf32> to vector<64x16x128xf32>
    %dot_general3A_14 = arith.constant dense<0.000000e+00> : vector<64x16x128xf32>
    %dot_general3A_15 = tpu.matmul %reshape3A, %reshape3A_13, %dot_general3A_14 {dimension_numbers = #tpu.dot_dimension_numbers<[1], [1], [2], [2], [0, 0, 0, 2, 1, 2], [0], [0]>, transpose_lhs_hint = false} : vector<64x16x16xf32>, vector<64x16x128xf32>, vector<64x16x128xf32> -> vector<64x16x128xf32>
    %reshape3A_16 = vector.shape_cast %dot_general3A_15 : vector<64x16x128xf32> to vector<1024x128xf32>
    %get3A_17 = arith.constant 0 : index
    %get3A_18 = arith.constant 0 : index
    %get3A_19 = vector.load %arg9[%get3A_17, %get3A_18] : memref<1x128xf32, #tpu.memory_space<vmem>>, vector<1x128xf32>
    %add3A_20 = vector.broadcast %get3A_19 : vector<1x128xf32> to vector<1024x128xf32>
    %add3A_21 = arith.addf %reshape3A_16, %add3A_20 : vector<1024x128xf32>
    %max3A = arith.constant 0.000000e+00 : f32
    %max3A_22 = vector.broadcast %max3A : f32 to vector<1024x128xf32>
    %max3A_23 = arith.maximumf %add3A_21, %max3A_22 : vector<1024x128xf32>
    %get3A_24 = arith.constant 0 : index
    %get3A_25 = arith.constant 0 : index
    %get3A_26 = vector.load %arg6[%get3A_24, %get3A_25] : memref<384x256xf32, #tpu.memory_space<vmem>>, vector<384x256xf32>
    %slice3A = vector.extract_strided_slice %get3A_26 {offsets = [0, 0], sizes = [384, 128], strides = [1, 1]} : vector<384x256xf32> to vector<384x128xf32>
    %dot_general3A_27 = arith.constant dense<0.000000e+00> : vector<1024x384xf32>
    %dot_general3A_28 = tpu.matmul %max3A_23, %slice3A, %dot_general3A_27 {dimension_numbers = #tpu.dot_dimension_numbers<[1], [1], [0], [0], [0, 0, 1, 0], [], []>, transpose_lhs_hint = false} : vector<1024x128xf32>, vector<384x128xf32>, vector<1024x384xf32> -> vector<1024x384xf32>
    %get3A_29 = arith.constant 0 : index
    %get3A_30 = arith.constant 0 : index
    %get3A_31 = vector.load %arg1[%get3A_29, %get3A_30] : memref<1024x128xf32, #tpu.memory_space<vmem>>, vector<1024x128xf32>
    %slice3A_32 = vector.extract_strided_slice %get3A_26 {offsets = [0, 128], sizes = [384, 128], strides = [1, 1]} : vector<384x256xf32> to vector<384x128xf32>
    %dot_general3A_33 = arith.constant dense<0.000000e+00> : vector<1024x384xf32>
    %dot_general3A_34 = tpu.matmul %get3A_31, %slice3A_32, %dot_general3A_33 {dimension_numbers = #tpu.dot_dimension_numbers<[1], [1], [0], [0], [0, 0, 1, 0], [], []>, transpose_lhs_hint = false} : vector<1024x128xf32>, vector<384x128xf32>, vector<1024x384xf32> -> vector<1024x384xf32>
    %add3A_35 = arith.addf %dot_general3A_28, %dot_general3A_34 : vector<1024x384xf32>
    %get3A_36 = arith.constant 0 : index
    %get3A_37 = arith.constant 0 : index
    %get3A_38 = vector.load %arg10[%get3A_36, %get3A_37] : memref<1x384xf32, #tpu.memory_space<vmem>>, vector<1x384xf32>
    %add3A_39 = vector.broadcast %get3A_38 : vector<1x384xf32> to vector<1024x384xf32>
    %add3A_40 = arith.addf %add3A_35, %add3A_39 : vector<1024x384xf32>
    %get3A_41 = arith.constant 0 : index
    %get3A_42 = arith.constant 0 : index
    %get3A_43 = vector.load %arg2[%get3A_41, %get3A_42] : memref<1024x128xf32, #tpu.memory_space<vmem>>, vector<1024x128xf32>
    %get3A_44 = arith.constant 0 : index
    %get3A_45 = arith.constant 0 : index
    %get3A_46 = vector.load %arg7[%get3A_44, %get3A_45] : memref<384x128xf32, #tpu.memory_space<vmem>>, vector<384x128xf32>
    %dot_general3A_47 = arith.constant dense<0.000000e+00> : vector<1024x384xf32>
    %dot_general3A_48 = tpu.matmul %get3A_43, %get3A_46, %dot_general3A_47 {dimension_numbers = #tpu.dot_dimension_numbers<[1], [1], [0], [0], [0, 0, 1, 0], [], []>, transpose_lhs_hint = false} : vector<1024x128xf32>, vector<384x128xf32>, vector<1024x384xf32> -> vector<1024x384xf32>
    %get3A_49 = arith.constant 0 : index
    %get3A_50 = arith.constant 0 : index
    %get3A_51 = vector.load %arg11[%get3A_49, %get3A_50] : memref<1x384xf32, #tpu.memory_space<vmem>>, vector<1x384xf32>
    %add3A_52 = vector.broadcast %get3A_51 : vector<1x384xf32> to vector<1024x384xf32>
    %add3A_53 = arith.addf %dot_general3A_48, %add3A_52 : vector<1024x384xf32>
    %slice3A_54 = vector.extract_strided_slice %add3A_40 {offsets = [0, 0], sizes = [1024, 128], strides = [1, 1]} : vector<1024x384xf32> to vector<1024x128xf32>
    %slice3A_55 = vector.extract_strided_slice %add3A_53 {offsets = [0, 0], sizes = [1024, 128], strides = [1, 1]} : vector<1024x384xf32> to vector<1024x128xf32>
    %add3A_56 = arith.addf %slice3A_54, %slice3A_55 : vector<1024x128xf32>
    %neg3A = arith.constant 0.000000e+00 : f32
    %neg3A_57 = vector.broadcast %neg3A : f32 to vector<1024x128xf32>
    %neg3A_58 = arith.subf %neg3A_57, %add3A_56 : vector<1024x128xf32>
    %exp3A = math.exp %neg3A_58 : vector<1024x128xf32>
    %add3A_59 = arith.constant 1.000000e+00 : f32
    %add3A_60 = vector.broadcast %add3A_59 : f32 to vector<1024x128xf32>
    %add3A_61 = arith.addf %add3A_60, %exp3A : vector<1024x128xf32>
    %div3A = arith.constant 1.000000e+00 : f32
    %div3A_62 = vector.broadcast %div3A : f32 to vector<1024x128xf32>
    %div3A_63 = arith.divf %div3A_62, %add3A_61 : vector<1024x128xf32>
    %slice3A_64 = vector.extract_strided_slice %add3A_40 {offsets = [0, 128], sizes = [1024, 128], strides = [1, 1]} : vector<1024x384xf32> to vector<1024x128xf32>
    %slice3A_65 = vector.extract_strided_slice %add3A_53 {offsets = [0, 128], sizes = [1024, 128], strides = [1, 1]} : vector<1024x384xf32> to vector<1024x128xf32>
    %add3A_66 = arith.addf %slice3A_64, %slice3A_65 : vector<1024x128xf32>
    %neg3A_67 = arith.constant 0.000000e+00 : f32
    %neg3A_68 = vector.broadcast %neg3A_67 : f32 to vector<1024x128xf32>
    %neg3A_69 = arith.subf %neg3A_68, %add3A_66 : vector<1024x128xf32>
    %exp3A_70 = math.exp %neg3A_69 : vector<1024x128xf32>
    %add3A_71 = arith.constant 1.000000e+00 : f32
    %add3A_72 = vector.broadcast %add3A_71 : f32 to vector<1024x128xf32>
    %add3A_73 = arith.addf %add3A_72, %exp3A_70 : vector<1024x128xf32>
    %div3A_74 = arith.constant 1.000000e+00 : f32
    %div3A_75 = vector.broadcast %div3A_74 : f32 to vector<1024x128xf32>
    %div3A_76 = arith.divf %div3A_75, %add3A_73 : vector<1024x128xf32>
    %slice3A_77 = vector.extract_strided_slice %add3A_40 {offsets = [0, 256], sizes = [1024, 128], strides = [1, 1]} : vector<1024x384xf32> to vector<1024x128xf32>
    %slice3A_78 = vector.extract_strided_slice %add3A_53 {offsets = [0, 256], sizes = [1024, 128], strides = [1, 1]} : vector<1024x384xf32> to vector<1024x128xf32>
    %mul3A = arith.mulf %div3A_63, %slice3A_78 : vector<1024x128xf32>
    %add3A_79 = arith.addf %slice3A_77, %mul3A : vector<1024x128xf32>
    %tanh3A = math.tanh %add3A_79 : vector<1024x128xf32>
    %sub3A = arith.constant 1.000000e+00 : f32
    %sub3A_80 = vector.broadcast %sub3A : f32 to vector<1024x128xf32>
    %sub3A_81 = arith.subf %sub3A_80, %div3A_76 : vector<1024x128xf32>
    %mul3A_82 = arith.mulf %sub3A_81, %tanh3A : vector<1024x128xf32>
    %mul3A_83 = arith.mulf %div3A_76, %get3A_43 : vector<1024x128xf32>
    %add3A_84 = arith.addf %mul3A_82, %mul3A_83 : vector<1024x128xf32>
    %swap3A = arith.constant 0 : index
    %swap3A_85 = arith.constant 0 : index
    %swap3A_86 = vector.load %arg13[%swap3A, %swap3A_85] : memref<1024x128xf32, #tpu.memory_space<vmem>>, vector<1024x128xf32>
    tpu.vector_store %arg13[%swap3A, %swap3A_85], %add3A_84 {strides = array<i32>} : memref<1024x128xf32, #tpu.memory_space<vmem>>, vector<1024x128xf32>,
    %get3A_87 = arith.constant 0 : index
    %get3A_88 = arith.constant 0 : index
    %get3A_89 = vector.load %arg8[%get3A_87, %get3A_88] : memref<32x128xf32, #tpu.memory_space<vmem>>, vector<32x128xf32>
    %dot_general3A_90 = arith.constant dense<0.000000e+00> : vector<1024x32xf32>
    %dot_general3A_91 = tpu.matmul %add3A_84, %get3A_89, %dot_general3A_90 {dimension_numbers = #tpu.dot_dimension_numbers<[1], [1], [0], [0], [0, 0, 1, 0], [], []>, transpose_lhs_hint = false} : vector<1024x128xf32>, vector<32x128xf32>, vector<1024x32xf32> -> vector<1024x32xf32>
    %get3A_92 = arith.constant 0 : index
    %get3A_93 = arith.constant 0 : index
    %get3A_94 = vector.load %arg12[%get3A_92, %get3A_93] : memref<1x32xf32, #tpu.memory_space<vmem>>, vector<1x32xf32>
    %add3A_95 = vector.broadcast %get3A_94 : vector<1x32xf32> to vector<1024x32xf32>
    %add3A_96 = arith.addf %dot_general3A_91, %add3A_95 : vector<1024x32xf32>
    %swap3A_97 = arith.constant 0 : index
    %swap3A_98 = arith.constant 0 : index
    %swap3A_99 = vector.load %arg14[%swap3A_97, %swap3A_98] : memref<1024x32xf32, #tpu.memory_space<vmem>>, vector<1024x32xf32>
    tpu.vector_store %arg14[%swap3A_97, %swap3A_98], %add3A_96 {strides = array<i32>} : memref<1024x32xf32, #tpu.memory_space<vmem>>, vector<1024x32xf32>,
    return
  }
  func.func @transform_0(%arg0: i32) -> (i32, i32) {
    %c0_i32 = arith.constant 0 : i32
    %c0_i32_0 = arith.constant 0 : i32
    return %arg0, %c0_i32 : i32, i32
  }
  func.func @transform_1(%arg0: i32) -> (i32, i32) {
    %c0_i32 = arith.constant 0 : i32
    %c0_i32_0 = arith.constant 0 : i32
    return %arg0, %c0_i32 : i32, i32
  }
  func.func @transform_2(%arg0: i32) -> (i32, i32) {
    %c0_i32 = arith.constant 0 : i32
    %c0_i32_0 = arith.constant 0 : i32
    %c0_i32_1 = arith.constant 0 : i32
    return %c0_i32, %c0_i32_0 : i32, i32
  }
  func.func @transform_3(%arg0: i32) -> (i32, i32) {
    %c0_i32 = arith.constant 0 : i32
    %c0_i32_0 = arith.constant 0 : i32
    %c0_i32_1 = arith.constant 0 : i32
    return %c0_i32, %c0_i32_0 : i32, i32
  }
  func.func @transform_4(%arg0: i32) -> (i32, i32) {
    %c0_i32 = arith.constant 0 : i32
    %c0_i32_0 = arith.constant 0 : i32
    return %arg0, %c0_i32 : i32, i32
  }
  func.func @transform_5(%arg0: i32) -> (i32, i32) {
    %c0_i32 = arith.constant 0 : i32
    %c0_i32_0 = arith.constant 0 : i32
    %c0_i32_1 = arith.constant 0 : i32
    return %c0_i32, %c0_i32_0 : i32, i32
  }
  func.func @transform_6(%arg0: i32) -> (i32, i32) {
    %c0_i32 = arith.constant 0 : i32
    %c0_i32_0 = arith.constant 0 : i32
    %c0_i32_1 = arith.constant 0 : i32
    return %c0_i32, %c0_i32_0 : i32, i32
  }
  func.func @transform_7(%arg0: i32) -> (i32, i32) {
    %c0_i32 = arith.constant 0 : i32
    %c0_i32_0 = arith.constant 0 : i32
    %c0_i32_1 = arith.constant 0 : i32
    return %c0_i32, %c0_i32_0 : i32, i32
  }
  func.func @transform_8(%arg0: i32) -> (i32, i32) {
    %c0_i32 = arith.constant 0 : i32
    %c0_i32_0 = arith.constant 0 : i32
    %c0_i32_1 = arith.constant 0 : i32
    return %c0_i32, %c0_i32_0 : i32, i32
  }
  func.func @transform_9(%arg0: i32) -> (i32, i32) {
    %c0_i32 = arith.constant 0 : i32
    %c0_i32_0 = arith.constant 0 : i32
    %c0_i32_1 = arith.constant 0 : i32
    return %c0_i32, %c0_i32_0 : i32, i32
  }
  func.func @transform_10(%arg0: i32) -> (i32, i32) {
    %c0_i32 = arith.constant 0 : i32
    %c0_i32_0 = arith.constant 0 : i32
    %c0_i32_1 = arith.constant 0 : i32
    return %c0_i32, %c0_i32_0 : i32, i32
  }
  func.func @transform_11(%arg0: i32) -> (i32, i32) {
    %c0_i32 = arith.constant 0 : i32
    %c0_i32_0 = arith.constant 0 : i32
    %c0_i32_1 = arith.constant 0 : i32
    return %c0_i32, %c0_i32_0 : i32, i32
  }
  func.func @transform_12(%arg0: i32) -> (i32, i32) {
    %c0_i32 = arith.constant 0 : i32
    %c0_i32_0 = arith.constant 0 : i32
    return %arg0, %c0_i32 : i32, i32
  }
  func.func @transform_13(%arg0: i32) -> (i32, i32) {
    %c0_i32 = arith.constant 0 : i32
    %c0_i32_0 = arith.constant 0 : i32
    return %arg0, %c0_i32 : i32, i32
  }
}

</mosaic_0001>

<sc_bundles>
// kernel: kernel.5.cloned.1.call-start
scs
__scs_entry_jumppad:
0x0: {  	(pc) =	sbr.rel $0x88, $3  }
0x1: {  	(tag) =	ssettag $0x0;
	lr =	simm.s32 $0x1  }
0x2: {  	[smem:$0x3F91] =	sst lr;
	_ =	strace $0xD0000000  }
0x3: {  	_ = 	snop  }
0x4: {  	_ = 	snop  }
0x5: {  	_ = 	snop  }
0x6: {  	_ = 	snop  }
0x7: {  	_ = 	snop  }
__scs_overlays_trampoline_lowered:
0x8: {  	[smem:$0x3FA0] =	sst s0  }
0x9: {  	[smem:$0x3FA1] =	sst s1  }
0xa: {  	[smem:$0x3FA2] =	sst s2  }
0xb: {  	[smem:$0x3FA3] =	sst s3  }
0xc: {  	[smem:$0x3FA4] =	sst s4  }
0xd: {  	[smem:$0x3FA5] =	sst s5  }
0xe: {  	[smem:$0x3FA6] =	sst s6  }
0xf: {  	[smem:$0x3FA7] =	sst s7  }
0x10: {  	[smem:$0x3FA8] =	sst s8  }
0x11: {  	[smem:$0x3FA9] =	sst s9;
	s0 =	simm.s32 @!p0 $0x0  }
0x12: {  	s1 =	sld [smem:$0x3F8F];
	s0 =	simm.s32 @p0 $0x1  }
0x13: {  	[smem:$0x3FAA] =	sst s0;
	s0 =	simm.s32 @!p1 $0x0  }
0x14: {  	s2 =	sld [smem:$0x3F8E];
	s0 =	simm.s32 @p1 $0x1  }
0x15: {  	[smem:$0x3FAB] =	sst s0;
	s0 =	simm.s32 @!p2 $0x0  }
0x16: {  	s3 =	sld [smem:$0x3FDB];
	s0 =	simm.s32 @p2 $0x1  }
0x17: {  	s4 =	simm.s32 $0x1BF5;
	[smem:$0x3FAD] =	sst s0  }
0x18: {  	s0 =	sld [smem:$0x3F90];
	_ =	swait.ge [sflag:s4], $0x0  }
0x19: {  	s7 =	sld [smem:$0x3F91]  }
0x1a: {  	s8 =	sadd.s32 $0xFFFFE003, lr  }
0x1b: {  	s9 =	sadd.s32 $0xFFFFFEF7, lr;
	s5 =	simm.s32 $0xFFFFFFFF;
	p2 =	slt.u32 s8, $0xFFFFF086  }
0x1c: {  	p1 =	slt.u32 s9, $0xF7A;
	s5 =	simm.s32 @!p2 $0x0  }
0x1d: {  	s5 =	simm.s32 @p1 $0x1;
	p0 =	seq.s32 s7, s2  }
0x1e: {  	s7 =	smul.u32 @!p0 $0xF7A, s2;
	p2 =	seq.s32 @!p0 s5, $0x0  }
0x1f: {  	s9 =	smul.u32 $0xF7A, s1;
	s8 =	simm.s32 @!p0 $0x1BF5;
	p2 =	por !p2, p0  }
0x20: {  	[sflag:s8] =	ssyncset.s32 @!p0 $0xFFFFF086;
	s6 =	sadd.s32 @!p0 s3, s7;
	s7 =	simm.s32 @!p0 $0x108  }
0x21: {  	s3 =	sadd.s32 s3, s9;
	s6 =	sadd.s32 @!p0 $0x88, s6;
	s7 =	simm.s32 @p2 $0x1082  }
0x22: {  	[simem:s7], [sflag:s8] =	dma.local @!p0 [hbm:s6], $0xF7A  }
0x23: {  	s9 =	sor.u32 $0xD0000000, s2;
	s6 =	simm.s32 $0x108;
	_ =	swait.ge @!p0 [sflag:s8], $0x0  }
0x24: {  	s3 =	sadd.s32 $0x88, s3;
	s6 =	simm.s32 @!p1 $0x1082;
	[sflag:s4] =	ssyncset.s32 $0xFFFFF086  }
0x25: {  	[simem:s6], [sflag:s4] =	dma.local [hbm:s3], $0xF7A  }
0x26: {  	[smem:$0x3F91] =	sst s1;
	(tag) =	ssettag s2;
	_ =	strace s9  }
0x27: {  	s1 =	sld [smem:$0x3FA1]  }
0x28: {  	s2 =	sld [smem:$0x3FA2]  }
0x29: {  	s4 =	sld [smem:$0x3FA4]  }
0x2a: {  	p0 =	seq.s32 s5, $0x0;
	s5 =	sld [smem:$0x3FA5]  }
0x2b: {  	s6 =	sld [smem:$0x3FA6]  }
0x2c: {  	s7 =	sld [smem:$0x3FA7]  }
0x2d: {  	s3 =	simm.s32 $0x108;
	s8 =	sld [smem:$0x3FA8]  }
0x2e: {  	s3 =	simm.s32 @!p0 $0x1082;
	s9 =	sld [smem:$0x3FA9]  }
0x2f: {  	lr =	sadd.s32 s0, s3;
	s0 =	sld [smem:$0x3FA0]  }
0x30: {  	s3 =	sld [smem:$0x3FA3]  }
0x31: {  	[smem:$0x3FAC] =	sst s10  }
0x32: {  	s10 =	sld [smem:$0x3FAA];
	_ =	sdelay $0x3  }
0x33: {  	p0 =	seq.s32 s10, $0x1;
	s10 =	sld [smem:$0x3FAC];
	_ =	sdelay $0x3  }
0x34: {  	[smem:$0x3FAC] =	sst s10  }
0x35: {  	s10 =	sld [smem:$0x3FAB];
	_ =	sdelay $0x3  }
0x36: {  	p1 =	seq.s32 s10, $0x1;
	s10 =	sld [smem:$0x3FAC];
	_ =	sdelay $0x3  }
0x37: {  	[smem:$0x3FAC] =	sst s10  }
0x38: {  	s10 =	sld [smem:$0x3FAD]  }
0x39: {  	_ = 	snop;
	(pc) =	sbr.ind lr, $3  }
0x3a: {  	_ = 	snop  }
0x3b: {  	_ = 	snop  }
0x3c: {  	p2 =	seq.s32 s10, $0x1;
	s10 =	sld [smem:$0x3FAC]  }
0x3d: {  	_ =	shalt  }
0x3e: {  	_ =	shalt  }
0x3f: {  	_ =	shalt  }
0x40: {  	_ =	shalt  }
0x41: {  	_ =	shalt  }
0x42: {  	_ =	shalt  }
0x43: {  	_ =	shalt  }
0x44: {  	_ =	shalt  }
0x45: {  	_ =	shalt  }
0x46: {  	_ =	shalt  }
0x47: {  	_ =	shalt  }
0x48: {  	_ =	shalt  }
0x49: {  	_ =	shalt  }
0x4a: {  	_ =	shalt  }
0x4b: {  	_ =	shalt  }
0x4c: {  	_ =	shalt  }
0x4d: {  	_ =	shalt  }
0x4e: {  	_ =	shalt  }
0x4f: {  	_ =	shalt  }
0x50: {  	_ =	shalt  }
0x51: {  	_ =	shalt  }
0x52: {  	_ =	shalt  }
0x53: {  	_ =	shalt  }
0x54: {  	_ =	shalt  }
0x55: {  	_ =	shalt  }
0x56: {  	_ =	shalt  }
0x57: {  	_ =	shalt  }
0x58: {  	_ =	shalt  }
0x59: {  	_ =	shalt  }
0x5a: {  	_ =	shalt  }
0x5b: {  	_ =	shalt  }
0x5c: {  	_ =	shalt  }
0x5d: {  	_ =	shalt  }
0x5e: {  	_ =	shalt  }
0x5f: {  	_ =	shalt  }
0x60: {  	_ =	shalt  }
0x61: {  	_ =	shalt  }
0x62: {  	_ =	shalt  }
0x63: {  	_ =	shalt  }
0x64: {  	_ =	shalt  }
0x65: {  	_ =	shalt  }
0x66: {  	_ =	shalt  }
0x67: {  	_ =	shalt  }
0x68: {  	_ =	shalt  }
0x69: {  	_ =	shalt  }
0x6a: {  	_ =	shalt  }
0x6b: {  	_ =	shalt  }
0x6c: {  	_ =	shalt  }
0x6d: {  	_ =	shalt  }
0x6e: {  	_ =	shalt  }
0x6f: {  	_ =	shalt  }
0x70: {  	_ =	shalt  }
0x71: {  	_ =	shalt  }
0x72: {  	_ =	shalt  }
0x73: {  	_ =	shalt  }
0x74: {  	_ =	shalt  }
0x75: {  	_ =	shalt  }
0x76: {  	_ =	shalt  }
0x77: {  	_ =	shalt  }
0x78: {  	_ =	shalt  }
0x79: {  	_ =	shalt  }
0x7a: {  	_ =	shalt  }
0x7b: {  	_ =	shalt  }
0x7c: {  	_ =	shalt  }
0x7d: {  	_ =	shalt  }
0x7e: {  	_ =	shalt  }
0x7f: {  	_ =	shalt  }
0x80: {  	_ =	shalt  }
0x81: {  	_ =	shalt  }
0x82: {  	_ =	shalt  }
0x83: {  	_ =	shalt  }
0x84: {  	_ =	shalt  }
0x85: {  	_ =	shalt  }
0x86: {  	_ =	shalt  }
0x87: {  	_ =	shalt  }
.Lfunc_end0:
.L_simem_size_0:
called_computation_lowered:
.L_overlay_start_0:
0x88: {  	s2 =	sld [smem:$0x3FD9]  }
0x89: {  	s3 =	sld [smem:$0x3FFE];
	_ =	sdelay $0x1  }
0x8a: {  	s1 =	srdreg.scid  }
0x8b: {  	s0 =	sand.u32 $0x1, s1  }
0x8c: {  	s15 =	sshll.u32 s0, $0xA;
	s2 =	sadd.s32 s3, s2  }
0x8d: {  	s2 =	sadd.s32 s2, s15  }
0x8e: {  	[smem:$0x3FB8] =	sst s2  }
0x8f: {  	_ = 	snop  }
0x90: {  	s2 =	sld [smem:$0x3FD0];
	_ =	sdelay $0x2  }
0x91: {  	s16 =	simm.s32 $0xA;
	s4 =	simm.s32 $0x10  }
0x92: {  	[smem:s4], [sflag:s16] =	dma.local [hbm:s2], $0x1  }
0x93: {  	_ =	swait.eq [sflag:s16], $0x1  }
0x94: {  	[sflag:s16] =	ssyncset.done $0x0  }
0x95: {  	s17 =	sld [smem:$0x10];
	[sflag:s16] =	ssyncadd.s32 $0xFFFFFFFF  }
0x96: {  	s18 =	sld [smem:$0x11];
	(tm) =	ssettm $0x1  }
0x97: {  	s19 =	sld [smem:$0x3FFB];
	_ =	sdelay $0x3  }
0x98: {  	_ =	strace s19  }
0x99: {  	s4 =	sld [smem:$0x3FFC];
	_ =	sdelay $0x3  }
0x9a: {  	_ =	strace s4  }
0x9b: {  	s4 =	sld [smem:$0x3FFD];
	_ =	sdelay $0x3  }
0x9c: {  	_ =	strace s4  }
0x9d: {  	_ =	strace $0x8FFFFFFF  }
0x9e: {  	s20 =	sld [smem:$0x3FDB];
	_ =	sdelay $0x1  }
0x9f: {  	s5 =	simm.s32 $_scs_section_size  }
0xa0: {  	s6 =	simm.s32 $_size__tile_overlayer_lowered;
	s7 =	simm.s32 $_tile_overlayer_lowered  }
0xa1: {  	s23 =	simm.s32 $0x1BFF;
	s22 =	sshll.u32 s7, $0x1;
	s4 =	sadd.s32 s5, s20  }
0xa2: {  	s8 =	simm.s32 $0x0;
	s21 =	sshll.u32 s6, $0x1;
	s6 =	sadd.s32 s22, s4  }
0xa3: {  	[timem:s8], [sflag:s23] =	dma.local [hbm:s6], s21  }
0xa4: {  	_ =	swait.ge [sflag:s23], s21  }
0xa5: {  	s5 =	ssub.s32 $0x0, s21;
	[sflag:s23] =	ssyncset.done $0x0  }
0xa6: {  	[sflag:s23] =	ssyncadd.s32 s5;
	_ =	sdelay $0x1  }
0xa7: {  	s24 =	simm.s32 $0x1B8B  }
0xa8: {  	_ =	swait.ge [sflag:s24], $0x1  }
0xa9: {  	[sflag:s24] =	ssyncset.done $0x0  }
0xaa: {  	s25 =	simm.s32 $0x1B8E;
	[sflag:s24] =	ssyncadd.s32 $0xFFFFFFFF  }
0xab: {  	s26 =	simm.s32 $execute0_lowered;
	[smem:$0x3FD2] =	sst s25  }
0xac: {  	s5 =	sshll.u32 s26, $0x1;
	_ =	strace $0x80000046;
	[dreg:$0x1] =	wrdreg $0xFFFFFFFF  }
0xad: {  	s28 =	simm.s32 $_size_execute0_lowered;
	s4 =	sadd.s32 s4, s5;
	[dreg:$0x0] =	wrdreg $0x0  }
0xae: {  	s5 =	sshll.u32 s28, $0x1;
	[dreg:$0x2] =	wrdreg s4  }
0xaf: {  	[dreg:$0x3] =	wrdreg s5  }
0xb0: {  	[dreg:$0x4] =	wrdreg $0xC0  }
0xb1: {  	_ =	task [dreg:s8], $0x5FFFF  }
0xb2: {  	[dreg:$0x1] =	wrdreg $0xFFFFFFFF  }
0xb3: {  	[dreg:$0x0] =	wrdreg $0x60  }
0xb4: {  	[dreg:$0x2] =	wrdreg s17  }
0xb5: {  	[dreg:$0x3] =	wrdreg s18  }
0xb6: {  	[dreg:$0x4] =	wrdreg $0x9  }
0xb7: {  	_ =	task.clear_ibuf [dreg:s8], $0x5FFFF;
	_ =	strace $0x90000046  }
0xb8: {  	s29 =	simm.s32 $0x9;
	_ =	strace $0x80000048  }
0xb9: {  	_ =	swait.ge [sflag:s29], $0x1  }
0xba: {  	[sflag:s29] =	ssyncadd.s32 $0xFFFFFFFF  }
0xbb: {  	_ =	strace $0x90000048  }
0xbc: {  	_ =	sfence  }
0xbd: {  	s30 =	sld [smem:$0x0];
	_ =	sdelay $0x2  }
0xbe: {  	s31 =	sshll.u32 s1, $0xD;
	s1 =	sshrl.u32 s1, $0x2  }
0xbf: {  	s3 =	sand.u32 $0x4000, s31;
	s1 =	sadd.s32 s1, s30  }
0xc0: {  	s0 =	sor.u32 s3, s0;
	s1 =	sshll.u32 s1, $0x11  }
0xc1: {  	s0 =	sor.u32 s1, s0  }
0xc2: {  	s0 =	sadd.s32 $0x8F2B, s0  }
0xc3: {  	[sflag:s0] =	ssyncadd.remote.s32 $0x1  }
0xc4: {  	_ =	sfence.sel $0xFFFF  }
0xc5: {  	[dreg:$0x0] =	wrdreg $0xFFFFFFFF;
	(pc) =	sbr.abs _section_cstart, $3  }
0xc6: {  	[dreg:$0x1] =	wrdreg $0xFFFFFFFF  }
0xc7: {  	_ =	task.clear_ibuf [dreg:s8], $0x2FFFF;
	_ =	strace $0x9FFFFFFF  }
0xc8: {  	(tm) =	ssettm $0x7FFFFFFF  }
0xc9: {  	_ =	shalt  }
tec
execute0_lowered:
.L_overlay_start_1:
0x0: {  	(tag) =	ssettag $0x1  }
0x1: {  	s3 =	rddreg [dreg:$0x0]  }
0x2: {  	s4 =	rddreg [dreg:$0x1];
	s1 =	srdreg.scid  }
0x3: {  	s0 =	rddreg [dreg:$0x2];
	s2 =	simm.s32 $0x0;
	s5 =	sand.u32 $0x1, s1  }
0x4: {  	[smem:$0x7FF] =	sst s2;
	s1 =	stileid.u32;
	s6 =	ssub.s32 $0x2, s5  }
0x5: {  	s8 =	sshll.u32 s1, $0xB;
	s5 =	sshll.u32 s5, $0xA;
	_ =	strace $0x80000047  }
0x6: {  	s7 =	sshrl.u32 s6, $0x1;
	s5 =	sor.u32 s5, s8;
	s8 =	simm.s32 $0x0  }
0x7: {  	s6 =	ssub.s32 s6, s7;
	s3 =	sadd.s32 s3, s5;
	s4 =	sadd.s32 s4, s5  }
0x8: {  	s7 =	simm.s32 $0x2000;
	s5 =	smax.u32 s6, $0x1;
	s6 =	simm.s32 $0x1  }
.LBB2_1:
0x9: {  	[tilespmem:s2], [sflag:$0x1] =	stream.linear.gather [hbm4b:s3+s2], $0x2000, $0x38;
	[tilespmem:$0x4000] =	vst v63  }
0xa: {  	_ =	swait.ge [sflag:s6], $0x2000  }
0xb: {  	[sflag:s6] =	ssyncset.done $0x0  }
0xc: {  	s11 =	simm.s32 $0x0;
	[sflag:s6] =	ssyncadd.s32 $0xFFFFE000  }
0xd: {  	v0 =	vld [tilespmem:s11+$0x0]  }
0xe: {  	v1 =	vld [tilespmem:s11+$0x10]  }
0xf: {  	v2 =	vld [tilespmem:s11+$0x20]  }
0x10: {  	v3 =	vld [tilespmem:s11+$0x30]  }
0x11: {  	v4 =	vld [tilespmem:s11+$0x40]  }
0x12: {  	v5 =	vld [tilespmem:s11+$0x50]  }
0x13: {  	v7 =	vld [tilespmem:s11+$0x60];
	v6 =	vmax.f32 v0, v1  }
0x14: {  	v8 =	vld [tilespmem:s11+$0x70];
	v6 =	vmax.f32 v6, v2  }
0x15: {  	v9 =	vld [tilespmem:s11+$0x80];
	v6 =	vmax.f32 v6, v3  }
0x16: {  	v11 =	vld [tilespmem:s11+$0x90];
	v6 =	vmax.f32 v6, v4  }
0x17: {  	v12 =	vld [tilespmem:s11+$0xA0];
	v6 =	vmax.f32 v6, v5  }
0x18: {  	v13 =	vld [tilespmem:s11+$0xB0];
	v6 =	vmax.f32 v6, v7  }
0x19: {  	v14 =	vld [tilespmem:s11+$0xC0];
	v6 =	vmax.f32 v6, v8  }
0x1a: {  	v15 =	vld [tilespmem:s11+$0xD0];
	v6 =	vmax.f32 v6, v9  }
0x1b: {  	v16 =	vld [tilespmem:s11+$0xE0];
	v6 =	vmax.f32 v6, v11  }
0x1c: {  	v17 =	vld [tilespmem:s11+$0xF0];
	v6 =	vmax.f32 v6, v12  }
0x1d: {  	v6 =	vmax.f32 v6, v13  }
0x1e: {  	v6 =	vmax.f32 v6, v14  }
0x1f: {  	v6 =	vmax.f32 v6, v15  }
0x20: {  	v6 =	vmax.f32 v6, v16  }
0x21: {  	v18 =	vmax.f32 v6, v17  }
0x22: {  	v0 =	vsub.f32 v0, v18  }
0x23: {  	v1 =	vsub.f32 v1, v18  }
0x24: {  	v0 =	vmul.f32 $1.442695020e+00, v0  }
0x25: {  	s9 =	simm.s32 $0x100;
	v2 =	vsub.f32 v2, v18;
	v1 =	vmul.f32 $1.442695020e+00, v1  }
0x26: {  	v19 =	vld [tilespmem:s9+$0x0];
	(erf) = vpow2.f32 v0  }
0x27: {  	v20 =	vld [tilespmem:s9+$0x10];
	v3 =	vsub.f32 v3, v18;
	v2 =	vmul.f32 $1.442695020e+00, v2;
	(erf) = vpow2.f32 v1  }
0x28: {  	v21 =	vld [tilespmem:s9+$0x20]  }
0x29: {  	v4 =	vsub.f32 v4, v18;
	v3 =	vmul.f32 $1.442695020e+00, v3;
	(erf) = vpow2.f32 v2  }
0x2a: {  	v5 =	vsub.f32 v5, v18;
	v0 =	vld [tilespmem:s9+$0x30]  }
0x2b: {  	v22 =	vld [tilespmem:s9+$0x40];
	v4 =	vmul.f32 $1.442695020e+00, v4;
	(erf) = vpow2.f32 v3  }
0x2c: {  	v6 =	vsub.f32 v7, v18;
	v5 =	vmul.f32 $1.442695020e+00, v5;
	v1 =	vmax.f32 v19, v20  }
0x2d: {  	v1 =	vmax.f32 v1, v21;
	v2 =	vld [tilespmem:s9+$0x50];
	(erf) = vpow2.f32 v4  }
0x2e: {  	(erf) = vpow2.f32 v5;
	v5 =	vmul.f32 $1.442695020e+00, v6;
	v6 =	vsub.f32 v8, v18  }
0x2f: {  	v3 =	vld [tilespmem:s9+$0x60];
	v1 =	vmax.f32 v1, v0;
	v7 =	vpop (erf)  }
0x30: {  	v8 =	vsub.f32 v9, v18;
	v1 =	vmax.f32 v1, v22;
	v10 =	vpop (erf)  }
0x31: {  	v4 =	vld [tilespmem:s9+$0x70];
	v9 =	vmul.f32 $1.442695020e+00, v6;
	(erf) = vpow2.f32 v5;
	v24 =	vadd.f32 v10, v7  }
0x32: {  	v23 =	vld [tilespmem:s9+$0x80];
	v1 =	vmax.f32 v1, v2;
	v5 =	vsub.f32 v11, v18;
	v6 =	vpop (erf)  }
0x33: {  	v25 =	vld [tilespmem:s9+$0x90];
	v11 =	vmul.f32 $1.442695020e+00, v8;
	(erf) = vpow2.f32 v9;
	v24 =	vadd.f32 v24, v6  }
0x34: {  	v12 =	vsub.f32 v12, v18;
	v1 =	vmax.f32 v1, v3;
	v8 =	vpop (erf)  }
0x35: {  	v26 =	vld [tilespmem:s9+$0xA0];
	v5 =	vmul.f32 $1.442695020e+00, v5;
	(erf) = vpow2.f32 v11;
	v24 =	vadd.f32 v24, v8  }
0x36: {  	v12 =	vmul.f32 $1.442695020e+00, v12;
	v1 =	vmax.f32 v1, v4;
	v11 =	vsub.f32 v13, v18;
	v9 =	vpop (erf)  }
0x37: {  	v27 =	vld [tilespmem:s9+$0xB0];
	v1 =	vmax.f32 v1, v23;
	(erf) = vpow2.f32 v5;
	v13 =	vadd.f32 v24, v9  }
0x38: {  	v1 =	vmax.f32 v1, v25;
	v28 =	vpop (erf);
	v5 =	vmul.f32 $1.442695020e+00, v11  }
0x39: {  	v29 =	vld [tilespmem:s9+$0xC0];
	v11 =	vsub.f32 v14, v18;
	(erf) = vpow2.f32 v12;
	v13 =	vadd.f32 v13, v28  }
0x3a: {  	v1 =	vmax.f32 v1, v26;
	v12 =	vsub.f32 v15, v18;
	v31 =	vpop (erf)  }
0x3b: {  	v34 =	vld [tilespmem:s9+$0xD0];
	v11 =	vmul.f32 $1.442695020e+00, v11;
	(erf) = vpow2.f32 v5;
	v13 =	vadd.f32 v13, v31  }
0x3c: {  	v1 =	vmax.f32 v1, v27;
	v5 =	vsub.f32 v16, v18;
	v30 =	vpop (erf)  }
0x3d: {  	v41 =	vld [tilespmem:s9+$0xE0];
	v12 =	vmul.f32 $1.442695020e+00, v12;
	(erf) = vpow2.f32 v11;
	v13 =	vadd.f32 v13, v30  }
0x3e: {  	v42 =	vld [tilespmem:s9+$0xF0];
	v1 =	vmax.f32 v1, v29;
	v5 =	vmul.f32 $1.442695020e+00, v5;
	v32 =	vpop (erf)  }
0x3f: {  	v11 =	vsub.f32 v17, v18;
	(erf) = vpow2.f32 v12;
	v13 =	vadd.f32 v13, v32  }
0x40: {  	v1 =	vmax.f32 v1, v34;
	v33 =	vpop (erf)  }
0x41: {  	v11 =	vmul.f32 $1.442695020e+00, v11;
	(erf) = vpow2.f32 v5;
	v12 =	vadd.f32 v13, v33  }
0x42: {  	v1 =	vmax.f32 v1, v41;
	v37 =	vpop (erf)  }
0x43: {  	v43 =	vmax.f32 v1, v42;
	(erf) = vpow2.f32 v11;
	v1 =	vadd.f32 v12, v37  }
0x44: {  	s10 =	simm.s32 $0x200;
	v5 =	vsub.f32 v19, v43;
	v11 =	vsub.f32 v20, v43;
	v35 =	vpop (erf)  }
0x45: {  	v44 =	vld [tilespmem:s10+$0x0];
	v1 =	vadd.f32 v1, v35  }
0x46: {  	v45 =	vld [tilespmem:s10+$0x10];
	v5 =	vmul.f32 $1.442695020e+00, v5;
	v12 =	vsub.f32 v21, v43;
	v13 =	vpop (erf)  }
0x47: {  	v36 =	vld [tilespmem:s10+$0x20];
	v14 =	vmul.f32 $1.442695020e+00, v11;
	v1 =	vadd.f32 v1, v13  }
0x48: {  	v46 =	vld [tilespmem:s10+$0x30];
	v0 =	vsub.f32 v0, v43;
	(erf) = vpow2.f32 v5;
	v11 =	vpop (erf);
	v5 =	vmul.f32 $1.442695020e+00, v12  }
0x49: {  	v38 =	vld [tilespmem:s10+$0x40];
	(erf) = vpow2.f32 v14;
	v14 =	vsub.f32 v22, v43;
	v1 =	vadd.f32 v1, v11  }
0x4a: {  	v39 =	vld [tilespmem:s10+$0x50];
	v2 =	vsub.f32 v2, v43;
	v0 =	vmul.f32 $1.442695020e+00, v0;
	v12 =	vpop (erf);
	(erf) = vpow2.f32 v5  }
0x4b: {  	v40 =	vld [tilespmem:s10+$0x60];
	v5 =	vmul.f32 $1.442695020e+00, v14;
	v14 =	vmax.f32 v44, v45;
	v1 =	vadd.f32 v1, v12  }
0x4c: {  	v19 =	vld [tilespmem:s10+$0x70];
	(erf) = vpow2.f32 v0;
	v0 =	vmul.f32 $1.442695020e+00, v2;
	v22 =	vpop (erf);
	v2 =	vmax.f32 v14, v36  }
0x4d: {  	(erf) = vpow2.f32 v5;
	v2 =	vmax.f32 v2, v46;
	v1 =	vadd.f32 v1, v22  }
0x4e: {  	(erf) = vpow2.f32 v0;
	v0 =	vmax.f32 v2, v38  }
0x4f: {  	v21 =	vld [tilespmem:s10+$0x80];
	v2 =	vsub.f32 v3, v43;
	(erf) = vrcp.f32 v1;
	v1 =	vmax.f32 v0, v39  }
0x50: {  	v4 =	vsub.f32 v4, v43;
	v1 =	vmax.f32 v1, v40  }
0x51: {  	v2 =	vmul.f32 $1.442695020e+00, v2;
	v0 =	vpop (erf);
	v1 =	vmax.f32 v1, v19  }
0x52: {  	v16 =	vsub.f32 v25, v43;
	v4 =	vmul.f32 $1.442695020e+00, v4;
	v3 =	vpop (erf)  }
0x53: {  	v20 =	vld [tilespmem:s10+$0x90];
	v5 =	vsub.f32 v23, v43;
	(erf) = vpow2.f32 v2;
	v15 =	vadd.f32 v3, v0  }
0x54: {  	v24 =	vsub.f32 v26, v43;
	v26 =	vsub.f32 v27, v43;
	v2 =	vmax.f32 v1, v21;
	v1 =	vpop (erf)  }
0x55: {  	v14 =	vld [tilespmem:s10+$0xA0];
	v5 =	vmul.f32 $1.442695020e+00, v5;
	(erf) = vpow2.f32 v4;
	v17 =	vadd.f32 v15, v1  }
0x56: {  	v29 =	vsub.f32 v29, v43;
	v41 =	vsub.f32 v41, v43;
	v4 =	vpop (erf)  }
0x57: {  	v16 =	vmul.f32 $1.442695020e+00, v16;
	(erf) = vpow2.f32 v5;
	v25 =	vadd.f32 v17, v4  }
0x58: {  	v27 =	vmul.f32 $1.442695020e+00, v24;
	v26 =	vmul.f32 $1.442695020e+00, v26;
	v23 =	vmax.f32 v2, v20;
	v2 =	vpop (erf)  }
0x59: {  	v18 =	vld [tilespmem:s10+$0xB0];
	v29 =	vmul.f32 $1.442695020e+00, v29;
	(erf) = vpow2.f32 v16;
	v5 =	vpop (erf);
	v47 =	vadd.f32 v25, v2  }
0x5a: {  	v41 =	vmul.f32 $1.442695020e+00, v41;
	v23 =	vmax.f32 v23, v14;
	v15 =	vld [tilespmem:s10+$0xC0];
	v24 =	vpop (erf);
	(erf) = vpow2.f32 v27  }
0x5b: {  	v17 =	vld [tilespmem:s10+$0xD0];
	v22 =	vmul.f32 v24, v22;
	v48 =	vmul.f32 v24, v7;
	v47 =	vadd.f32 v47, v5  }
0x5c: {  	v16 =	vld [tilespmem:s10+$0xE0];
	v27 =	vsub.f32 v34, v43;
	v7 =	vpop (erf);
	v54 =	vmul.f32 v24, v10;
	(erf) = vpow2.f32 v26  }
0x5d: {  	v25 =	vld [tilespmem:s10+$0xF0];
	v55 =	vmul.f32 v24, v6;
	v56 =	vmul.f32 v24, v8;
	v47 =	vadd.f32 v47, v7  }
0x5e: {  	v23 =	vmax.f32 v23, v18;
	v58 =	vmul.f32 v24, v9;
	v27 =	vmul.f32 $1.442695020e+00, v27;
	[tilespmem:s11+$0x20F0] =	vst v22;
	v10 =	vpop (erf)  }
0x5f: {  	s12 =	simm.s32 $0x300;
	(erf) = vpow2.f32 v29;
	v22 =	vmax.f32 v23, v15;
	[tilespmem:s11+$0x2000] =	vst v48;
	v47 =	vadd.f32 v47, v10  }
0x60: {  	v28 =	vmul.f32 v24, v28;
	v29 =	vsub.f32 v42, v43;
	v23 =	vld [tilespmem:s12+$0x0];
	v22 =	vmax.f32 v22, v17;
	[tilespmem:s11+$0x2010] =	vst v54;
	v6 =	vpop (erf)  }
0x61: {  	v26 =	vld [tilespmem:s12+$0x10];
	v22 =	vmax.f32 v22, v16;
	[tilespmem:s11+$0x2020] =	vst v55;
	(erf) = vpow2.f32 v27;
	v57 =	vadd.f32 v47, v6  }
0x62: {  	v31 =	vmul.f32 v24, v31;
	v59 =	vmul.f32 $1.442695020e+00, v29;
	v27 =	vld [tilespmem:s12+$0x20];
	v22 =	vmax.f32 v22, v25;
	v8 =	vpop (erf)  }
0x63: {  	(erf) = vpow2.f32 v41;
	v61 =	vsub.f32 v44, v22;
	v60 =	vadd.f32 v57, v8  }
0x64: {  	v49 =	vmul.f32 v24, v30;
	[tilespmem:s11+$0x2030] =	vst v56;
	v62 =	vsub.f32 v45, v22;
	v50 =	vsub.f32 v36, v22;
	v9 =	vpop (erf)  }
0x65: {  	v29 =	vld [tilespmem:s12+$0x30];
	[tilespmem:s11+$0x2040] =	vst v58;
	(erf) = vpow2.f32 v59;
	v41 =	vmul.f32 $1.442695020e+00, v61;
	v63 =	vadd.f32 v60, v9  }
0x66: {  	[tilespmem:s11+$0x2050] =	vst v28;
	v51 =	vsub.f32 v46, v22;
	v42 =	vmul.f32 $1.442695020e+00, v62;
	v48 =	vmax.f32 v23, v26;
	v28 =	vpop (erf)  }
0x67: {  	v34 =	vld [tilespmem:s12+$0x40];
	[tilespmem:s11+$0x2060] =	vst v31;
	v31 =	vmax.f32 v48, v27;
	(erf) = vpow2.f32 v41;
	v43 =	vadd.f32 v63, v28  }
0x68: {  	v56 =	vmul.f32 v24, v32;
	v55 =	vsub.f32 v38, v22;
	v40 =	vsub.f32 v40, v22;
	[tilespmem:s11+$0x2070] =	vst v49;
	v30 =	vpop (erf)  }
0x69: {  	v36 =	vld [tilespmem:s12+$0x50];
	v52 =	vmul.f32 $1.442695020e+00, v50;
	(erf) = vpow2.f32 v42;
	v53 =	vadd.f32 v43, v30  }
0x6a: {  	v38 =	vld [tilespmem:s12+$0x60];
	v44 =	vmul.f32 $1.442695020e+00, v51;
	v59 =	vsub.f32 v39, v22;
	v54 =	vmax.f32 v31, v29;
	v31 =	vpop (erf)  }
0x6b: {  	v45 =	vmul.f32 $1.442695020e+00, v55;
	(erf) = vpow2.f32 v52;
	v57 =	vadd.f32 v53, v31  }
0x6c: {  	[tilespmem:s11+$0x2080] =	vst v56;
	v62 =	vmul.f32 $1.442695020e+00, v59;
	v58 =	vmax.f32 v54, v34;
	v60 =	vmul.f32 v24, v33;
	v32 =	vpop (erf)  }
0x6d: {  	v39 =	vld [tilespmem:s12+$0x70];
	(erf) = vpow2.f32 v44;
	v63 =	vmul.f32 v24, v37;
	v61 =	vadd.f32 v57, v32  }
0x6e: {  	v42 =	vmax.f32 v58, v36;
	v44 =	vmul.f32 v24, v35;
	[tilespmem:s11+$0x2090] =	vst v60;
	(erf) = vpow2.f32 v45;
	v33 =	vpop (erf)  }
0x6f: {  	s13 =	simm.s32 $0x1000;
	v41 =	vld [tilespmem:s12+$0x80];
	(erf) = vpow2.f32 v62;
	v43 =	vmax.f32 v42, v38;
	[tilespmem:s11+$0x20A0] =	vst v63;
	v37 =	vadd.f32 v61, v33  }
.LBB2_2:
0x70: {  	v46 =	vmul.f32 $1.442695020e+00, v40;
	v48 =	vsub.f32 v19, v22;
	v47 =	vpop (erf)  }
0x71: {  	p0 =	sne.s32 s13, $0x7C00;
	v45 =	vld [tilespmem:s12+$0x90];
	(erf) = vrcp.f32 v37;
	v35 =	vmovc v28;
	v42 =	vmovc v34;
	v40 =	vmov v36;
	v37 =	vmov v38  }
0x72: {  	v49 =	vsub.f32 v21, v22;
	v36 =	vmul.f32 v24, v13;
	v28 =	vmax.f32 v43, v39;
	v34 =	vpop (erf);
	[tilespmem:s11+$0x20B0] =	vst v44  }
0x73: {  	v13 =	vmovc v30;
	v19 =	vmovc v39;
	v38 =	vld [tilespmem:s12+$0xA0];
	v43 =	vmul.f32 $1.442695020e+00, v48;
	v44 =	vadd.f32 v34, v47;
	(erf) = vpow2.f32 v46  }
0x74: {  	v48 =	vsub.f32 v20, v22;
	v28 =	vmax.f32 v28, v41;
	v30 =	vpop (erf);
	[tilespmem:s11+$0x20C0] =	vst v36;
	v36 =	vmul.f32 v24, v11  }
0x75: {  	v46 =	vmul.f32 $1.442695020e+00, v49;
	v11 =	vmovc v31;
	v21 =	vmovc v41;
	v39 =	vld [tilespmem:s12+$0xB0];
	v44 =	vadd.f32 v44, v30;
	(erf) = vpow2.f32 v43  }
0x76: {  	v49 =	vmul.f32 v24, v12;
	v31 =	vsub.f32 v14, v22;
	v28 =	vmax.f32 v28, v45;
	v41 =	vpop (erf);
	[tilespmem:s11+$0x20D0] =	vst v36  }
0x77: {  	v12 =	vmovc v32;
	v48 =	vmul.f32 $1.442695020e+00, v48;
	v20 =	vmovc v45;
	v36 =	vld [tilespmem:s12+$0xC0];
	v43 =	vadd.f32 v44, v41;
	(erf) = vpow2.f32 v46  }
0x78: {  	v50 =	vsub.f32 v18, v22;
	v28 =	vmax.f32 v28, v38;
	v32 =	vpop (erf);
	[tilespmem:s11+$0x20E0] =	vst v49;
	v14 =	vmov v38;
	s11 =	smov.u32 s9;
	s9 =	smov.u32 s10;
	s10 =	smov.u32 s12  }
0x79: {  	v31 =	vmul.f32 $1.442695020e+00, v31;
	v38 =	vld [tilespmem:s10+$0xD0];
	v43 =	vadd.f32 v43, v32;
	v44 =	vpop (erf);
	(erf) = vpow2.f32 v48  }
0x7a: {  	v45 =	vmul.f32 $1.442695020e+00, v50;
	v50 =	vsub.f32 v15, v22;
	v28 =	vmax.f32 v28, v39;
	v24 =	vpop (erf)  }
0x7b: {  	v18 =	vmovc v39;
	v46 =	vld [tilespmem:s10+$0xE0];
	v43 =	vadd.f32 v43, v44;
	(erf) = vpow2.f32 v31;
	v51 =	vmul.f32 v24, v33  }
0x7c: {  	v52 =	vsub.f32 v17, v22;
	v39 =	vmul.f32 v24, v0;
	v28 =	vmax.f32 v28, v36;
	v33 =	vpop (erf)  }
0x7d: {  	v49 =	vmul.f32 $1.442695020e+00, v50;
	v0 =	vmovc v47;
	v15 =	vmovc v36;
	v48 =	vld [tilespmem:s10+$0xF0];
	v43 =	vadd.f32 v43, v33;
	(erf) = vpow2.f32 v45;
	[tilespmem:s11+$0x20F0] =	vst v51  }
0x7e: {  	v50 =	vsub.f32 v16, v22;
	v36 =	vmul.f32 v24, v3;
	v28 =	vmax.f32 v28, v38;
	v31 =	vpop (erf);
	[tilespmem:s11+$0x2000] =	vst v39  }
0x7f: {  	s12 =	sshra.s32 s13, $0x2;
	v3 =	vmovc v34;
	v39 =	vmul.f32 $1.442695020e+00, v52;
	v17 =	vmovc v38;
	v51 =	vadd.f32 v43, v31;
	(erf) = vpow2.f32 v49  }
0x80: {  	v25 =	vsub.f32 v25, v22;
	v34 =	vmul.f32 v24, v1;
	v45 =	vld [tilespmem:s12+$0x0];
	v28 =	vmax.f32 v28, v46;
	v47 =	vpop (erf);
	[tilespmem:s11+$0x2010] =	vst v36  }
0x81: {  	v1 =	vmovc v30;
	v36 =	vmul.f32 $1.442695020e+00, v50;
	v16 =	vmovc v46;
	v49 =	vld [tilespmem:s12+$0x10];
	v38 =	vadd.f32 v51, v47;
	(erf) = vpow2.f32 v39  }
0x82: {  	v30 =	vmul.f32 v24, v2;
	v22 =	vmax.f32 v28, v48;
	v43 =	vpop (erf);
	[tilespmem:s11+$0x2020] =	vst v34;
	v28 =	vmul.f32 v24, v4  }
0x83: {  	v25 =	vmul.f32 $1.442695020e+00, v25;
	v2 =	vmovc v32;
	v4 =	vmovc v41;
	v46 =	vld [tilespmem:s12+$0x20];
	v34 =	vadd.f32 v38, v43;
	(erf) = vpow2.f32 v36  }
0x84: {  	v32 =	vmul.f32 v24, v5;
	v23 =	vsub.f32 v23, v22;
	v38 =	vmul.f32 v24, v7;
	v50 =	vpop (erf);
	[tilespmem:s11+$0x2030] =	vst v28  }
0x85: {  	v5 =	vmovc v44;
	v26 =	vsub.f32 v26, v22;
	v51 =	vld [tilespmem:s12+$0x30];
	v36 =	vadd.f32 v34, v50;
	(erf) = vpow2.f32 v25;
	[tilespmem:s11+$0x2040] =	vst v30  }
0x86: {  	v39 =	vmul.f32 v24, v10;
	v23 =	vmul.f32 $1.442695020e+00, v23;
	v25 =	vmax.f32 v45, v49;
	v28 =	vpop (erf);
	[tilespmem:s11+$0x2050] =	vst v32  }
0x87: {  	v27 =	vsub.f32 v27, v22;
	v7 =	vmovc v33;
	v26 =	vmul.f32 $1.442695020e+00, v26;
	v34 =	vld [tilespmem:s12+$0x40];
	v32 =	vadd.f32 v36, v28;
	[tilespmem:s11+$0x2060] =	vst v38  }
0x88: {  	v29 =	vsub.f32 v29, v22;
	v33 =	vmax.f32 v25, v46;
	(erf) = vpow2.f32 v23;
	v30 =	vpop (erf);
	[tilespmem:s11+$0x2070] =	vst v39  }
0x89: {  	v10 =	vmovc v31;
	v41 =	vmul.f32 $1.442695020e+00, v27;
	v36 =	vld [tilespmem:s12+$0x50];
	(erf) = vpow2.f32 v26;
	v26 =	vadd.f32 v32, v30;
	v25 =	vmovc v48  }
0x8a: {  	v39 =	vmul.f32 v24, v6;
	v27 =	vmax.f32 v33, v51;
	v33 =	vsub.f32 v42, v22;
	v31 =	vpop (erf)  }
0x8b: {  	v29 =	vmul.f32 $1.442695020e+00, v29;
	v6 =	vmovc v47;
	v23 =	vmovc v45;
	v38 =	vld [tilespmem:s12+$0x60];
	(erf) = vpow2.f32 v41;
	v44 =	vadd.f32 v26, v31  }
.Ltmp0:
0x8c: {  	v40 =	vsub.f32 v40, v22;
	v41 =	vmul.f32 v24, v8;
	v27 =	vmax.f32 v27, v34;
	v32 =	vpop (erf);
	[tilespmem:s11+$0x2080] =	vst v39;
	(pc) =	sbr.rel @p0 .LBB2_2-.Ltmp0, $4  }
0x8d: {  	v8 =	vmovc v43;
	v42 =	vmul.f32 $1.442695020e+00, v33;
	v39 =	vld [tilespmem:s12+$0x70];
	(erf) = vpow2.f32 v29;
	v47 =	vadd.f32 v44, v32;
	v26 =	vmovc v49  }
0x8e: {  	v45 =	vmul.f32 v24, v9;
	v44 =	vmul.f32 $1.442695020e+00, v40;
	v43 =	vmax.f32 v27, v36;
	v33 =	vpop (erf);
	[tilespmem:s11+$0x2090] =	vst v41  }
0x8f: {  	v9 =	vmovc v50;
	v40 =	vsub.f32 v37, v22;
	v41 =	vld [tilespmem:s12+$0x80];
	(erf) = vpow2.f32 v42;
	v37 =	vadd.f32 v47, v33;
	v27 =	vmovc v46  }
0x90: {  	s13 =	sadd.s32 $0x400, s13;
	v29 =	vmovc v51;
	v43 =	vmax.f32 v43, v38;
	(erf) = vpow2.f32 v44;
	[tilespmem:s11+$0x20A0] =	vst v45;
	v44 =	vmul.f32 v24, v35  }
0x91: {  	v40 =	vmul.f32 $1.442695020e+00, v40;
	v42 =	vsub.f32 v19, v22;
	v19 =	vpop (erf)  }
0x92: {  	(erf) = vrcp.f32 v37;
	v51 =	vsub.f32 v21, v22;
	v52 =	vmul.f32 v24, v13;
	v21 =	vpop (erf)  }
0x93: {  	v42 =	vmul.f32 $1.442695020e+00, v42;
	v46 =	vadd.f32 v21, v19;
	(erf) = vpow2.f32 v40  }
0x94: {  	v20 =	vsub.f32 v20, v22;
	v53 =	vmul.f32 v24, v11;
	v50 =	vmax.f32 v43, v39;
	v13 =	vpop (erf)  }
0x95: {  	v35 =	vld [tilespmem:s12+$0x90];
	[tilespmem:s11+$0x20B0] =	vst v44;
	v43 =	vmul.f32 $1.442695020e+00, v51;
	v46 =	vadd.f32 v46, v13;
	(erf) = vpow2.f32 v42  }
0x96: {  	v14 =	vsub.f32 v14, v22;
	v54 =	vmul.f32 v24, v12;
	v45 =	vld [tilespmem:s12+$0xA0];
	[tilespmem:s11+$0x20C0] =	vst v52;
	v11 =	vpop (erf)  }
0x97: {  	v20 =	vmul.f32 $1.442695020e+00, v20;
	v44 =	vld [tilespmem:s12+$0xB0];
	[tilespmem:s11+$0x20D0] =	vst v53;
	(erf) = vpow2.f32 v43;
	v55 =	vadd.f32 v46, v11  }
0x98: {  	v18 =	vsub.f32 v18, v22;
	v56 =	vmul.f32 $1.442695020e+00, v14;
	v40 =	vld [tilespmem:s12+$0xC0];
	[tilespmem:s11+$0x20E0] =	vst v54;
	v12 =	vpop (erf)  }
0x99: {  	v37 =	vmax.f32 v50, v41;
	v43 =	vld [tilespmem:s12+$0xD0];
	(erf) = vpow2.f32 v20;
	v42 =	vadd.f32 v55, v12  }
0x9a: {  	v18 =	vmul.f32 $1.442695020e+00, v18;
	v37 =	vmax.f32 v37, v35;
	v47 =	vld [tilespmem:s12+$0xE0];
	v14 =	vpop (erf)  }
0x9b: {  	v37 =	vmax.f32 v37, v45;
	v24 =	vpop (erf);
	(erf) = vpow2.f32 v56;
	v42 =	vadd.f32 v42, v14  }
0x9c: {  	v58 =	vsub.f32 v15, v22;
	v17 =	vsub.f32 v17, v22;
	v57 =	vmax.f32 v37, v44;
	v15 =	vpop (erf)  }
0x9d: {  	v46 =	vld [tilespmem:s12+$0xF0];
	v20 =	vmax.f32 v57, v40;
	(erf) = vpow2.f32 v18;
	v42 =	vadd.f32 v42, v15  }
0x9e: {  	v60 =	vsub.f32 v16, v22;
	v37 =	vmul.f32 $1.442695020e+00, v58;
	v59 =	vmax.f32 v20, v43;
	v16 =	vpop (erf)  }
0x9f: {  	v48 =	vmul.f32 $1.442695020e+00, v17;
	v18 =	vmax.f32 v59, v47;
	v42 =	vadd.f32 v42, v16  }
0xa0: {  	v61 =	vsub.f32 v25, v22;
	v20 =	vmul.f32 $1.442695020e+00, v60;
	(erf) = vpow2.f32 v37;
	v17 =	vpop (erf)  }
0xa1: {  	v62 =	vadd.f32 v42, v17  }
0xa2: {  	v22 =	vmul.f32 $1.442695020e+00, v61;
	v37 =	vmax.f32 v18, v46;
	(erf) = vpow2.f32 v48;
	v18 =	vpop (erf)  }
0xa3: {  	v23 =	vsub.f32 v23, v37;
	v25 =	vadd.f32 v62, v18  }
0xa4: {  	(erf) = vpow2.f32 v20;
	v20 =	vpop (erf)  }
0xa5: {  	v26 =	vsub.f32 v26, v37;
	v23 =	vmul.f32 $1.442695020e+00, v23;
	v25 =	vadd.f32 v25, v20  }
0xa6: {  	(erf) = vpow2.f32 v22;
	v22 =	vpop (erf)  }
0xa7: {  	v27 =	vsub.f32 v27, v37;
	v26 =	vmul.f32 $1.442695020e+00, v26;
	v25 =	vadd.f32 v25, v22  }
0xa8: {  	(erf) = vpow2.f32 v23  }
0xa9: {  	v29 =	vsub.f32 v29, v37;
	v27 =	vmul.f32 $1.442695020e+00, v27;
	v23 =	vpop (erf);
	(erf) = vpow2.f32 v26  }
0xaa: {  	v34 =	vsub.f32 v34, v37;
	v63 =	vadd.f32 v25, v23  }
0xab: {  	v36 =	vsub.f32 v36, v37;
	v29 =	vmul.f32 $1.442695020e+00, v29;
	v25 =	vpop (erf);
	(erf) = vpow2.f32 v27  }
0xac: {  	v42 =	vadd.f32 v63, v25  }
0xad: {  	v38 =	vsub.f32 v38, v37;
	v34 =	vmul.f32 $1.442695020e+00, v34;
	v26 =	vpop (erf);
	(erf) = vpow2.f32 v29  }
0xae: {  	v27 =	vadd.f32 v42, v26  }
0xaf: {  	v48 =	vmul.f32 $1.442695020e+00, v36;
	v36 =	vpop (erf);
	(erf) = vpow2.f32 v34  }
0xb0: {  	v27 =	vadd.f32 v27, v36  }
0xb1: {  	v50 =	vsub.f32 v39, v37;
	v49 =	vmul.f32 $1.442695020e+00, v38;
	(erf) = vpow2.f32 v48;
	v38 =	vpop (erf)  }
0xb2: {  	v51 =	vsub.f32 v41, v37;
	v39 =	vpop (erf);
	(erf) = vrcp.f32 v27  }
0xb3: {  	v34 =	vmul.f32 $1.442695020e+00, v50;
	v52 =	vadd.f32 v39, v38;
	(erf) = vpow2.f32 v49  }
0xb4: {  	v53 =	vsub.f32 v35, v37;
	v35 =	vpop (erf)  }
0xb5: {  	v27 =	vmul.f32 $1.442695020e+00, v51;
	(erf) = vpow2.f32 v34;
	v41 =	vadd.f32 v52, v35  }
0xb6: {  	v54 =	vsub.f32 v45, v37;
	v42 =	vpop (erf)  }
0xb7: {  	v29 =	vmul.f32 $1.442695020e+00, v53;
	(erf) = vpow2.f32 v27;
	v41 =	vadd.f32 v41, v42  }
0xb8: {  	v56 =	vmul.f32 v24, v33;
	v55 =	vsub.f32 v44, v37;
	v44 =	vpop (erf)  }
0xb9: {  	v34 =	vmul.f32 $1.442695020e+00, v54;
	(erf) = vpow2.f32 v29;
	v41 =	vadd.f32 v41, v44  }
0xba: {  	v0 =	vmul.f32 v24, v0;
	v27 =	vmul.f32 $1.442695020e+00, v55;
	v33 =	vpop (erf)  }
0xbb: {  	v40 =	vsub.f32 v40, v37;
	v45 =	vpop (erf);
	v41 =	vadd.f32 v41, v33;
	(erf) = vpow2.f32 v34  }
0xbc: {  	v3 =	vmul.f32 v24, v3;
	v60 =	vmul.f32 v24, v1;
	v57 =	vsub.f32 v43, v37;
	v43 =	vpop (erf)  }
0xbd: {  	[tilespmem:s9+$0x20F0] =	vst v56;
	v58 =	vmul.f32 $1.442695020e+00, v40;
	(erf) = vpow2.f32 v27;
	v59 =	vadd.f32 v41, v43  }
0xbe: {  	v61 =	vmul.f32 v24, v4;
	[tilespmem:s9+$0x2000] =	vst v0;
	v56 =	vmul.f32 v24, v9;
	v62 =	vsub.f32 v47, v37;
	v27 =	vpop (erf)  }
0xbf: {  	[tilespmem:s9+$0x2010] =	vst v3;
	v63 =	vmul.f32 $1.442695020e+00, v57;
	(erf) = vpow2.f32 v58;
	v40 =	vadd.f32 v59, v27  }
0xc0: {  	[tilespmem:s9+$0x2020] =	vst v60;
	v60 =	vmul.f32 v24, v32;
	v47 =	vmul.f32 v24, v5;
	v48 =	vsub.f32 v46, v37;
	v29 =	vpop (erf)  }
0xc1: {  	[tilespmem:s9+$0x2030] =	vst v61;
	v49 =	vmul.f32 $1.442695020e+00, v62;
	(erf) = vpow2.f32 v63;
	v50 =	vadd.f32 v40, v29  }
0xc2: {  	[tilespmem:s9+$0x20A0] =	vst v56;
	v57 =	vmul.f32 v24, v28;
	v51 =	vmul.f32 v24, v7;
	v7 =	vpop (erf)  }
0xc3: {  	[tilespmem:s9+$0x20E0] =	vst v60;
	v53 =	vmul.f32 $1.442695020e+00, v48;
	(erf) = vpow2.f32 v49;
	v4 =	vadd.f32 v50, v7  }
0xc4: {  	[tilespmem:s9+$0x2050] =	vst v47;
	v3 =	vpop (erf)  }
0xc5: {  	[tilespmem:s9+$0x20B0] =	vst v57;
	v54 =	vmul.f32 v24, v6;
	(erf) = vpow2.f32 v53;
	v4 =	vadd.f32 v4, v3  }
0xc6: {  	[tilespmem:s9+$0x2060] =	vst v51;
	v52 =	vmul.f32 v24, v10;
	v41 =	vmul.f32 v24, v2;
	v2 =	vpop (erf)  }
0xc7: {  	v55 =	vmul.f32 v24, v8;
	[tilespmem:s9+$0x2080] =	vst v54;
	v4 =	vadd.f32 v4, v2  }
0xc8: {  	[tilespmem:s9+$0x2070] =	vst v52;
	v5 =	vpop (erf)  }
0xc9: {  	[tilespmem:s9+$0x2090] =	vst v55;
	v58 =	vmul.f32 v24, v30;
	v4 =	vadd.f32 v4, v5  }
0xca: {  	[tilespmem:s9+$0x2040] =	vst v41;
	v59 =	vmul.f32 v24, v31;
	v6 =	vpop (erf)  }
0xcb: {  	v61 =	vmul.f32 v45, v36;
	[tilespmem:s9+$0x20C0] =	vst v58;
	v4 =	vadd.f32 v4, v6  }
0xcc: {  	v62 =	vmul.f32 v45, v19;
	[tilespmem:s9+$0x20D0] =	vst v59;
	v8 =	vpop (erf)  }
0xcd: {  	v63 =	vmul.f32 v45, v21;
	[tilespmem:s10+$0x20F0] =	vst v61;
	v4 =	vadd.f32 v4, v8  }
0xce: {  	v13 =	vmul.f32 v45, v13;
	[tilespmem:s10+$0x2000] =	vst v62;
	v19 =	vpop (erf)  }
0xcf: {  	v21 =	vmul.f32 v45, v11;
	[tilespmem:s10+$0x2010] =	vst v63;
	v4 =	vadd.f32 v4, v19  }
0xd0: {  	v24 =	vmul.f32 v45, v12;
	[tilespmem:s10+$0x2020] =	vst v13  }
0xd1: {  	v28 =	vmul.f32 v45, v14;
	[tilespmem:s10+$0x2030] =	vst v21;
	(erf) = vrcp.f32 v4  }
0xd2: {  	v30 =	vmul.f32 v45, v15;
	[tilespmem:s10+$0x2040] =	vst v24  }
0xd3: {  	v31 =	vmul.f32 v45, v16;
	[tilespmem:s10+$0x2050] =	vst v28  }
0xd4: {  	v32 =	vmul.f32 v45, v17;
	[tilespmem:s10+$0x2060] =	vst v30  }
0xd5: {  	v34 =	vmul.f32 v45, v18;
	[tilespmem:s10+$0x2070] =	vst v31  }
0xd6: {  	v36 =	vmul.f32 v45, v20;
	[tilespmem:s10+$0x2080] =	vst v32  }
0xd7: {  	v37 =	vmul.f32 v45, v22;
	[tilespmem:s10+$0x2090] =	vst v34  }
0xd8: {  	v41 =	vmul.f32 v45, v25;
	[tilespmem:s10+$0x20A0] =	vst v36  }
0xd9: {  	v46 =	vmul.f32 v45, v26;
	[tilespmem:s10+$0x20B0] =	vst v37  }
0xda: {  	v40 =	vmul.f32 v45, v23;
	[tilespmem:s10+$0x20D0] =	vst v41;
	v47 =	vpop (erf)  }
0xdb: {  	[tilespmem:s10+$0x20E0] =	vst v46;
	v48 =	vmul.f32 v47, v19  }
0xdc: {  	[tilespmem:s10+$0x20C0] =	vst v40;
	v49 =	vmul.f32 v47, v38  }
0xdd: {  	v50 =	vmul.f32 v47, v39;
	[tilespmem:s12+$0x20F0] =	vst v48  }
0xde: {  	v51 =	vmul.f32 v47, v35;
	[tilespmem:s12+$0x2000] =	vst v49  }
0xdf: {  	v52 =	vmul.f32 v47, v42;
	[tilespmem:s12+$0x2010] =	vst v50  }
0xe0: {  	v53 =	vmul.f32 v47, v44;
	[tilespmem:s12+$0x2020] =	vst v51  }
0xe1: {  	v54 =	vmul.f32 v47, v33;
	[tilespmem:s12+$0x2030] =	vst v52  }
0xe2: {  	v55 =	vmul.f32 v47, v43;
	[tilespmem:s12+$0x2040] =	vst v53  }
0xe3: {  	v56 =	vmul.f32 v47, v27;
	[tilespmem:s12+$0x2050] =	vst v54  }
0xe4: {  	v57 =	vmul.f32 v47, v29;
	[tilespmem:s12+$0x2060] =	vst v55  }
0xe5: {  	v58 =	vmul.f32 v47, v7;
	[tilespmem:s12+$0x2070] =	vst v56  }
0xe6: {  	v59 =	vmul.f32 v47, v3;
	[tilespmem:s12+$0x2080] =	vst v57  }
0xe7: {  	v60 =	vmul.f32 v47, v2;
	[tilespmem:s12+$0x2090] =	vst v58  }
0xe8: {  	v61 =	vmul.f32 v47, v5;
	[tilespmem:s12+$0x20A0] =	vst v59  }
0xe9: {  	v62 =	vmul.f32 v47, v6;
	[tilespmem:s12+$0x20B0] =	vst v60  }
0xea: {  	s8 =	sadd.s32 $0x1, s8;
	v63 =	vmul.f32 v47, v8;
	[tilespmem:s12+$0x20C0] =	vst v61  }
0xeb: {  	p0 =	sne.s32 s8, s5;
	[tilespmem:s12+$0x20D0] =	vst v62  }
.Ltmp1:
0xec: {  	[tilespmem:s12+$0x20E0] =	vst v63;
	(pc) =	sbr.rel @p0 .LBB2_1-.Ltmp1, $4  }
0xed: {  	[hbm4b:s4+s2] =	stream.linear.scatter [tilespmem:s7], [sflag:$0x1], $0x2000, $0x38;
	[tilespmem:$0x4000] =	vst v63  }
0xee: {  	_ =	swait.ge [sflag:s6], $0x2000  }
0xef: {  	[sflag:s6] =	ssyncset.done $0x0  }
0xf0: {  	[sflag:s6] =	ssyncadd.s32 $0xFFFFE000  }
0xf1: {  	_ =	sfence.sel $0x180000  }
0xf2: {  	[bflag:$0x0] =	sbarrier.arrive $0xFFFF  }
0xf3: {  	p0 =	sne.s32 s1, $0x0;
	_ =	strace $0x90000047  }
0xf4: {  	s0 =	sadd.s32 @!p0 $0x100000, s0;
	[bflag:$0x2] =	sbarrier.arrive $0xFFFF  }
0xf5: {  	[sflag:s0] =	ssyncadd.tile.s32 @!p0 $0x1;
	_ =	shalt  }
.Lfunc_end2:
_tile_overlayer_lowered:
.L_overlay_start_2:
0xf6: {  	(tag) =	ssettag $0x2  }
0xf7: {  	s0 =	rddreg [dreg:$0x0];
	s2 =	stileid.u32  }
0xf8: {  	s1 =	rddreg [dreg:$0x1];
	p0 =	sne.s32 s2, $0x0  }
0xf9: {  	s3 =	rddreg [dreg:$0x2];
	[bflag:$0x3] =	sbarrier.arrive $0xFFFF;
	s2 =	simm.s32 @!p0 $0x1C01  }
0xfa: {  	[timem:s3], [sflag:s2] =	dma.local @!p0 [hbm:s0], s1  }
0xfb: {  	s0 =	simm.s32 @!p0 $0x1  }
0xfc: {  	_ =	swait.ge @!p0 [sflag:s0], s1  }
0xfd: {  	s1 =	ssub.s32 @!p0 $0x0, s1;
	[sflag:s0] =	ssyncset.done @!p0 $0x0  }
0xfe: {  	[sflag:s0] =	ssyncadd.s32 @!p0 s1  }
0xff: {  	[bflag:$0x3] =	sbarrier.arrive $0xFFFF  }
0x100: {  	_ =	shalt  }

</sc_bundles>
